<compile_context>
chip_gen: v7x
topology: tpu7x:2x2x1
jax: 0.10.2.dev20260603
libtpu: 0.0.44.dev20260713+nightly
codegen_flags: <defaults>
</compile_context>

<pallas_src>
import functools

import jax
import jax.numpy as jnp
from jax import lax
from jax.experimental import pallas as pl
from jax.experimental.pallas import tpu as pltpu
from jax.experimental.pallas import tpu_sc as plsc

_VOCAB = 1000000
_DIM = 64
_BATCH = 16384

_INFO = plsc.get_sparse_core_info()
_NC = _INFO.num_cores
_NS = _INFO.num_subcores
_NW = _NC * _NS
_L = _INFO.num_lanes
_N_PER_W = _BATCH // _NW
_GROUPS = _N_PER_W // _L
_PACK = 128 // _DIM
_PROWS = _N_PER_W // _PACK


def _rsqrt_newton(x):
    i = lax.bitcast_convert_type(x, jnp.int32)
    i = jnp.int32(0x5F3759DF) - lax.shift_right_logical(i, 1)
    y = lax.bitcast_convert_type(i, jnp.float32)
    xh = x * jnp.float32(0.5)
    for _ in range(3):
        y = y * (jnp.float32(1.5) - xh * y * y)
    return y


def _normalize_rows(rows_ref):
    iota = lax.broadcasted_iota(jnp.int32, (_L,), 0)

    def group_body(g, carry):
        rr = g * _L + iota
        prow = lax.shift_right_logical(rr, 1)
        pcol = lax.shift_left(rr & 1, 6)

        def ss_body(c, acc):
            x = plsc.load_gather(rows_ref, [prow, pcol + c])
            return acc + x * x

        ss = lax.fori_loop(0, _DIM, ss_body, jnp.zeros((_L,), jnp.float32),
                           unroll=8)
        inv = _rsqrt_newton(ss)

        def scale_body(c, carry2):
            x = plsc.load_gather(rows_ref, [prow, pcol + c])
            plsc.store_scatter(rows_ref, [prow, pcol + c], x * inv)
            return carry2

        lax.fori_loop(0, _DIM, scale_body, 0, unroll=8)
        return carry

    lax.fori_loop(0, _GROUPS, group_body, 0)


def _issue_row_gathers(table, idx_ref, rows_ref, sem):
    def g_body(g, carry):
        iv = idx_ref[pl.ds(g * _L, _L)]
        for j in range(_L):
            r = g * _L + j
            pltpu.async_copy(
                table.at[iv[j]],
                rows_ref.at[r >> 1, pl.ds((r & 1) * _DIM, _DIM)],
                sem,
            )
        return carry

    lax.fori_loop(0, _GROUPS, g_body, 0)


@functools.partial(
    pl.kernel,
    out_type=jax.ShapeDtypeStruct((2, _BATCH // _PACK, 128), jnp.float32),
    mesh=plsc.VectorSubcoreMesh(core_axis_name="c", subcore_axis_name="s"),
    compiler_params=pltpu.CompilerParams(needs_layout_passes=False),
    scratch_types=[
        pltpu.VMEM((_N_PER_W,), jnp.int32),
        pltpu.VMEM((_N_PER_W,), jnp.int32),
        pltpu.VMEM((_PROWS, 128), jnp.float32),
        pltpu.VMEM((_PROWS, 128), jnp.float32),
        pltpu.SemaphoreType.DMA,
        pltpu.SemaphoreType.DMA,
        pltpu.SemaphoreType.DMA,
    ],
)
def _sc_kernel(in_data, out_data, in_table, out_table, out,
               idx0, idx1, rows0, rows1, sem0, sem1, osem):
    wid = lax.axis_index("s") * _NC + lax.axis_index("c")
    base = wid * _N_PER_W
    pbase = wid * _PROWS

    pltpu.sync_copy(in_data.at[pl.ds(base, _N_PER_W)], idx0)
    pltpu.sync_copy(out_data.at[pl.ds(base, _N_PER_W)], idx1)

    _issue_row_gathers(in_table, idx0, rows0, sem0)
    _issue_row_gathers(out_table, idx1, rows1, sem1)

    pltpu.make_async_copy(out.at[0, pl.ds(0, _PROWS)], rows0, sem0).wait()
    _normalize_rows(rows0)
    o0 = pltpu.async_copy(rows0, out.at[0, pl.ds(pbase, _PROWS)], osem)

    pltpu.make_async_copy(out.at[1, pl.ds(0, _PROWS)], rows1, sem1).wait()
    _normalize_rows(rows1)
    o1 = pltpu.async_copy(rows1, out.at[1, pl.ds(pbase, _PROWS)], osem)

    o0.wait()
    o1.wait()


def kernel(in_data, out_data, in_table, out_table):
    packed = _sc_kernel(
        in_data.astype(jnp.int32), out_data.astype(jnp.int32),
        in_table, out_table,
    )
    return packed.reshape(2, _BATCH, _DIM)

# --- scband reference (transcript-rebuilt; emitter-appended) ---
"""Pipeline reference for scband-skip-gram-65274912964724 (READ-ONLY COPY).

The authoritative reference and input builder live on the scoring server;
editing this copy changes nothing except your own understanding.
"""

import jax, jax.numpy as jnp
import numpy as np

VOCAB = 1000000
DIM = 64
BATCH = 16384
PAD = 0


def _normalize(x, eps=1e-12):
    # torch.nn.functional.normalize with p=2, dim=1
    n = jnp.sqrt(jnp.sum(x * x, axis=-1, keepdims=True))
    return x / jnp.maximum(n, eps)


def setup_inputs(seed: int = 0) -> dict:
    key = jax.random.key(seed)
    k1, k2, k3, k4 = jax.random.split(key, 4)
    in_table = jax.random.uniform(k1, (VOCAB, DIM), dtype=jnp.float32, minval=-1.0, maxval=1.0)
    out_table = jax.random.uniform(k2, (VOCAB, DIM), dtype=jnp.float32, minval=-1.0, maxval=1.0)
    # zero the padding row, mirroring the torch __init__
    in_table = in_table.at[PAD].set(0.0)
    out_table = out_table.at[PAD].set(0.0)
    in_data = jax.random.randint(k3, (BATCH,), 0, VOCAB, dtype=jnp.int64 if jax.config.jax_enable_x64 else jnp.int32)
    out_data = jax.random.randint(k4, (BATCH,), 0, VOCAB, dtype=jnp.int64 if jax.config.jax_enable_x64 else jnp.int32)
    return {"in_data": in_data, "out_data": out_data, "in_table": in_table, "out_table": out_table}


def reference(in_data, out_data, in_table, out_table):
    # forward_in: NGRAMS=False -> embedding lookup + L2 normalize
    in_vec = _normalize(jnp.take(in_table, in_data, axis=0))
    # forward_out: embedding lookup + L2 normalize
    out_vec = _normalize(jnp.take(out_table, out_data, axis=0))
    return jnp.stack([in_vec, out_vec])  # [2, BATCH, DIM]

if __name__ == "__main__":
    import jax
    _d = setup_inputs()
    print(jax.jit(kernel)(*tuple(_d.values())))

</pallas_src>

<mosaic_0001>
#map = affine_map<(d0, d1) -> (0)>
#map1 = affine_map<(d0, d1) -> (0, 0)>
#map2 = affine_map<(d0, d1) -> (0, 0, 0)>
module attributes {stable_mosaic.version = 14 : i64} {
  func.func @_sc_kernel(%arg0: i32, %arg1: i32, %arg2: memref<16384xi32, #tpu.memory_space<hbm>>, %arg3: memref<16384xi32, #tpu.memory_space<hbm>>, %arg4: memref<1000000x64xf32, #tpu.memory_space<hbm>>, %arg5: memref<1000000x64xf32, #tpu.memory_space<hbm>>, %arg6: memref<2x8192x128xf32, #tpu.memory_space<hbm>>, %arg7: memref<512xi32, #tpu.memory_space<vmem>>, %arg8: memref<512xi32, #tpu.memory_space<vmem>>, %arg9: memref<256x128xf32, #tpu.memory_space<vmem>>, %arg10: memref<256x128xf32, #tpu.memory_space<vmem>>, %arg11: memref<!tpu.dma_semaphore, #tpu.memory_space<semaphore_mem>>, %arg12: memref<!tpu.dma_semaphore, #tpu.memory_space<semaphore_mem>>, %arg13: memref<!tpu.dma_semaphore, #tpu.memory_space<semaphore_mem>>) attributes {dimension_semantics = [#tpu.dimension_semantics<core_parallel>, #tpu.dimension_semantics<subcore_parallel>], iteration_bounds = array<i64: 2, 16>, scalar_prefetch = 0 : i64, scratch_operands = 7 : i64, tpu.core_type = #tpu.core_type<sc_vector_subcore>, window_params = [{transform_indices = #map}, {transform_indices = #map}, {transform_indices = #map1}, {transform_indices = #map1}, {transform_indices = #map2}]} {
    %mul3A = arith.constant 2 : i32
    %mul3A_0 = arith.muli %arg1, %mul3A : i32
    %add3A = arith.addi %mul3A_0, %arg0 : i32
    %mul3A_1 = arith.constant 512 : i32
    %mul3A_2 = arith.muli %add3A, %mul3A_1 : i32
    %mul3A_3 = arith.constant 256 : i32
    %mul3A_4 = arith.muli %add3A, %mul3A_3 : i32
    "tpu.region"() ({
      %run_scoped3A = tpu.sem_alloc : memref<!tpu.dma_semaphore, #tpu.memory_space<semaphore_mem>>
      %dma_start3A_73 = tpu.memref_slice %arg2[%mul3A_2] : memref<16384xi32, #tpu.memory_space<hbm>> -> memref<512xi32, #tpu.memory_space<hbm>>
      %dma_start3A_74 = tpu.memref_slice %arg2[%mul3A_2] : memref<16384xi32, #tpu.memory_space<hbm>> -> memref<512xi32, #tpu.memory_space<hbm>>
      tpu.enqueue_dma source(%dma_start3A_74 : memref<512xi32, #tpu.memory_space<hbm>>) target(%arg7 : memref<512xi32, #tpu.memory_space<vmem>>) target_semaphore(%run_scoped3A : memref<!tpu.dma_semaphore, #tpu.memory_space<semaphore_mem>>)
      %dma_wait3A_75 = tpu.memref_slice %arg2[%mul3A_2] : memref<16384xi32, #tpu.memory_space<hbm>> -> memref<512xi32, #tpu.memory_space<hbm>>
      %dma_wait3A_76 = tpu.memref_slice %arg2[%mul3A_2] : memref<16384xi32, #tpu.memory_space<hbm>> -> memref<512xi32, #tpu.memory_space<hbm>>
      tpu.wait_dma2 semaphore(%run_scoped3A : memref<!tpu.dma_semaphore, #tpu.memory_space<semaphore_mem>>) src(%dma_wait3A_76 : memref<512xi32, #tpu.memory_space<hbm>>) dst(%arg7 : memref<512xi32, #tpu.memory_space<vmem>>)
      tpu.yield
    }) : () -> ()
    "tpu.region"() ({
      %run_scoped3A = tpu.sem_alloc : memref<!tpu.dma_semaphore, #tpu.memory_space<semaphore_mem>>
      %dma_start3A_73 = tpu.memref_slice %arg3[%mul3A_2] : memref<16384xi32, #tpu.memory_space<hbm>> -> memref<512xi32, #tpu.memory_space<hbm>>
      %dma_start3A_74 = tpu.memref_slice %arg3[%mul3A_2] : memref<16384xi32, #tpu.memory_space<hbm>> -> memref<512xi32, #tpu.memory_space<hbm>>
      tpu.enqueue_dma source(%dma_start3A_74 : memref<512xi32, #tpu.memory_space<hbm>>) target(%arg8 : memref<512xi32, #tpu.memory_space<vmem>>) target_semaphore(%run_scoped3A : memref<!tpu.dma_semaphore, #tpu.memory_space<semaphore_mem>>)
      %dma_wait3A_75 = tpu.memref_slice %arg3[%mul3A_2] : memref<16384xi32, #tpu.memory_space<hbm>> -> memref<512xi32, #tpu.memory_space<hbm>>
      %dma_wait3A_76 = tpu.memref_slice %arg3[%mul3A_2] : memref<16384xi32, #tpu.memory_space<hbm>> -> memref<512xi32, #tpu.memory_space<hbm>>
      tpu.wait_dma2 semaphore(%run_scoped3A : memref<!tpu.dma_semaphore, #tpu.memory_space<semaphore_mem>>) src(%dma_wait3A_76 : memref<512xi32, #tpu.memory_space<hbm>>) dst(%arg8 : memref<512xi32, #tpu.memory_space<vmem>>)
      tpu.yield
    }) : () -> ()
    %scan3A = arith.constant 0 : i32
    %scan3A_5 = arith.constant 0 : i32
    %scan3A_6 = arith.constant 32 : i32
    %scan3A_7 = arith.addi %scan3A_5, %scan3A_6 : i32
    %scan3A_8 = arith.constant 1 : i32
    scf.for %scan3A_73 = %scan3A_5 to %scan3A_7 step %scan3A_8  : i32 {
      %mul3A_74 = arith.constant 16 : i32
      %mul3A_75 = arith.muli %scan3A_73, %mul3A_74 : i32
      %get3A = arith.index_cast %mul3A_75 : i32 to index
      %get3A_76 = tpu.vector_load %arg7[%get3A] {strides = array<i32>} : memref<512xi32, #tpu.memory_space<vmem>>, vector<16xi32>,
      %mul3A_77 = arith.constant 16 : i32
      %mul3A_78 = arith.muli %scan3A_73, %mul3A_77 : i32
      %add3A_79 = arith.constant 0 : i32
      %add3A_80 = arith.addi %mul3A_78, %add3A_79 : i32
      %slice3A = vector.extract_strided_slice %get3A_76 {offsets = [0], sizes = [1], strides = [1]} : vector<16xi32> to vector<1xi32>
      %squeeze3A = vector.extract %slice3A[0] : i32 from vector<1xi32>
      %shift_right_arithmetic3A = arith.constant 1 : i32
      %shift_right_arithmetic3A_81 = arith.shrsi %add3A_80, %shift_right_arithmetic3A : i32
      %and3A = arith.constant 1 : i32
      %and3A_82 = arith.andi %add3A_80, %and3A : i32
      %mul3A_83 = arith.constant 64 : i32
      %mul3A_84 = arith.muli %and3A_82, %mul3A_83 : i32
      %dma_start3A_85 = tpu.memref_slice %arg9[%shift_right_arithmetic3A_81, %mul3A_84] : memref<256x128xf32, #tpu.memory_space<vmem>> -> memref<1x64xf32, #tpu.memory_space<vmem>>
      %dma_start3A_86 = tpu.memref_squeeze %dma_start3A_85 : memref<1x64xf32, #tpu.memory_space<vmem>> -> memref<64xf32, #tpu.memory_space<vmem>>
      %dma_start3A_87 = arith.constant 0 : i32
      %dma_start3A_88 = tpu.memref_slice %arg4[%squeeze3A, %dma_start3A_87] : memref<1000000x64xf32, #tpu.memory_space<hbm>> -> memref<1x64xf32, #tpu.memory_space<hbm>>
      %dma_start3A_89 = tpu.memref_squeeze %dma_start3A_88 : memref<1x64xf32, #tpu.memory_space<hbm>> -> memref<64xf32, #tpu.memory_space<hbm>>
      %dma_start3A_90 = tpu.memref_slice %arg9[%shift_right_arithmetic3A_81, %mul3A_84] : memref<256x128xf32, #tpu.memory_space<vmem>> -> memref<1x64xf32, #tpu.memory_space<vmem>>
      %dma_start3A_91 = tpu.memref_squeeze %dma_start3A_90 : memref<1x64xf32, #tpu.memory_space<vmem>> -> memref<64xf32, #tpu.memory_space<vmem>>
      %dma_start3A_92 = arith.constant 0 : i32
      %dma_start3A_93 = tpu.memref_slice %arg4[%squeeze3A, %dma_start3A_92] : memref<1000000x64xf32, #tpu.memory_space<hbm>> -> memref<1x64xf32, #tpu.memory_space<hbm>>
      %dma_start3A_94 = tpu.memref_squeeze %dma_start3A_93 : memref<1x64xf32, #tpu.memory_space<hbm>> -> memref<64xf32, #tpu.memory_space<hbm>>
      tpu.enqueue_dma source(%dma_start3A_94 : memref<64xf32, #tpu.memory_space<hbm>>) target(%dma_start3A_91 : memref<64xf32, #tpu.memory_space<vmem>>) target_semaphore(%arg11 : memref<!tpu.dma_semaphore, #tpu.memory_space<semaphore_mem>>)
      %mul3A_95 = arith.constant 16 : i32
      %mul3A_96 = arith.muli %scan3A_73, %mul3A_95 : i32
      %add3A_97 = arith.constant 1 : i32
      %add3A_98 = arith.addi %mul3A_96, %add3A_97 : i32
      %slice3A_99 = vector.extract_strided_slice %get3A_76 {offsets = [1], sizes = [1], strides = [1]} : vector<16xi32> to vector<1xi32>
      %squeeze3A_100 = vector.extract %slice3A_99[0] : i32 from vector<1xi32>
      %shift_right_arithmetic3A_101 = arith.constant 1 : i32
      %shift_right_arithmetic3A_102 = arith.shrsi %add3A_98, %shift_right_arithmetic3A_101 : i32
      %and3A_103 = arith.constant 1 : i32
      %and3A_104 = arith.andi %add3A_98, %and3A_103 : i32
      %mul3A_105 = arith.constant 64 : i32
      %mul3A_106 = arith.muli %and3A_104, %mul3A_105 : i32
      %dma_start3A_107 = tpu.memref_slice %arg9[%shift_right_arithmetic3A_102, %mul3A_106] : memref<256x128xf32, #tpu.memory_space<vmem>> -> memref<1x64xf32, #tpu.memory_space<vmem>>
      %dma_start3A_108 = tpu.memref_squeeze %dma_start3A_107 : memref<1x64xf32, #tpu.memory_space<vmem>> -> memref<64xf32, #tpu.memory_space<vmem>>
      %dma_start3A_109 = arith.constant 0 : i32
      %dma_start3A_110 = tpu.memref_slice %arg4[%squeeze3A_100, %dma_start3A_109] : memref<1000000x64xf32, #tpu.memory_space<hbm>> -> memref<1x64xf32, #tpu.memory_space<hbm>>
      %dma_start3A_111 = tpu.memref_squeeze %dma_start3A_110 : memref<1x64xf32, #tpu.memory_space<hbm>> -> memref<64xf32, #tpu.memory_space<hbm>>
      %dma_start3A_112 = tpu.memref_slice %arg9[%shift_right_arithmetic3A_102, %mul3A_106] : memref<256x128xf32, #tpu.memory_space<vmem>> -> memref<1x64xf32, #tpu.memory_space<vmem>>
      %dma_start3A_113 = tpu.memref_squeeze %dma_start3A_112 : memref<1x64xf32, #tpu.memory_space<vmem>> -> memref<64xf32, #tpu.memory_space<vmem>>
      %dma_start3A_114 = arith.constant 0 : i32
      %dma_start3A_115 = tpu.memref_slice %arg4[%squeeze3A_100, %dma_start3A_114] : memref<1000000x64xf32, #tpu.memory_space<hbm>> -> memref<1x64xf32, #tpu.memory_space<hbm>>
      %dma_start3A_116 = tpu.memref_squeeze %dma_start3A_115 : memref<1x64xf32, #tpu.memory_space<hbm>> -> memref<64xf32, #tpu.memory_space<hbm>>
      tpu.enqueue_dma source(%dma_start3A_116 : memref<64xf32, #tpu.memory_space<hbm>>) target(%dma_start3A_113 : memref<64xf32, #tpu.memory_space<vmem>>) target_semaphore(%arg11 : memref<!tpu.dma_semaphore, #tpu.memory_space<semaphore_mem>>)
      %mul3A_117 = arith.constant 16 : i32
      %mul3A_118 = arith.muli %scan3A_73, %mul3A_117 : i32
      %add3A_119 = arith.constant 2 : i32
      %add3A_120 = arith.addi %mul3A_118, %add3A_119 : i32
      %slice3A_121 = vector.extract_strided_slice %get3A_76 {offsets = [2], sizes = [1], strides = [1]} : vector<16xi32> to vector<1xi32>
      %squeeze3A_122 = vector.extract %slice3A_121[0] : i32 from vector<1xi32>
      %shift_right_arithmetic3A_123 = arith.constant 1 : i32
      %shift_right_arithmetic3A_124 = arith.shrsi %add3A_120, %shift_right_arithmetic3A_123 : i32
      %and3A_125 = arith.constant 1 : i32
      %and3A_126 = arith.andi %add3A_120, %and3A_125 : i32
      %mul3A_127 = arith.constant 64 : i32
      %mul3A_128 = arith.muli %and3A_126, %mul3A_127 : i32
      %dma_start3A_129 = tpu.memref_slice %arg9[%shift_right_arithmetic3A_124, %mul3A_128] : memref<256x128xf32, #tpu.memory_space<vmem>> -> memref<1x64xf32, #tpu.memory_space<vmem>>
      %dma_start3A_130 = tpu.memref_squeeze %dma_start3A_129 : memref<1x64xf32, #tpu.memory_space<vmem>> -> memref<64xf32, #tpu.memory_space<vmem>>
      %dma_start3A_131 = arith.constant 0 : i32
      %dma_start3A_132 = tpu.memref_slice %arg4[%squeeze3A_122, %dma_start3A_131] : memref<1000000x64xf32, #tpu.memory_space<hbm>> -> memref<1x64xf32, #tpu.memory_space<hbm>>
      %dma_start3A_133 = tpu.memref_squeeze %dma_start3A_132 : memref<1x64xf32, #tpu.memory_space<hbm>> -> memref<64xf32, #tpu.memory_space<hbm>>
      %dma_start3A_134 = tpu.memref_slice %arg9[%shift_right_arithmetic3A_124, %mul3A_128] : memref<256x128xf32, #tpu.memory_space<vmem>> -> memref<1x64xf32, #tpu.memory_space<vmem>>
      %dma_start3A_135 = tpu.memref_squeeze %dma_start3A_134 : memref<1x64xf32, #tpu.memory_space<vmem>> -> memref<64xf32, #tpu.memory_space<vmem>>
      %dma_start3A_136 = arith.constant 0 : i32
      %dma_start3A_137 = tpu.memref_slice %arg4[%squeeze3A_122, %dma_start3A_136] : memref<1000000x64xf32, #tpu.memory_space<hbm>> -> memref<1x64xf32, #tpu.memory_space<hbm>>
      %dma_start3A_138 = tpu.memref_squeeze %dma_start3A_137 : memref<1x64xf32, #tpu.memory_space<hbm>> -> memref<64xf32, #tpu.memory_space<hbm>>
      tpu.enqueue_dma source(%dma_start3A_138 : memref<64xf32, #tpu.memory_space<hbm>>) target(%dma_start3A_135 : memref<64xf32, #tpu.memory_space<vmem>>) target_semaphore(%arg11 : memref<!tpu.dma_semaphore, #tpu.memory_space<semaphore_mem>>)
      %mul3A_139 = arith.constant 16 : i32
      %mul3A_140 = arith.muli %scan3A_73, %mul3A_139 : i32
      %add3A_141 = arith.constant 3 : i32
      %add3A_142 = arith.addi %mul3A_140, %add3A_141 : i32
      %slice3A_143 = vector.extract_strided_slice %get3A_76 {offsets = [3], sizes = [1], strides = [1]} : vector<16xi32> to vector<1xi32>
      %squeeze3A_144 = vector.extract %slice3A_143[0] : i32 from vector<1xi32>
      %shift_right_arithmetic3A_145 = arith.constant 1 : i32
      %shift_right_arithmetic3A_146 = arith.shrsi %add3A_142, %shift_right_arithmetic3A_145 : i32
      %and3A_147 = arith.constant 1 : i32
      %and3A_148 = arith.andi %add3A_142, %and3A_147 : i32
      %mul3A_149 = arith.constant 64 : i32
      %mul3A_150 = arith.muli %and3A_148, %mul3A_149 : i32
      %dma_start3A_151 = tpu.memref_slice %arg9[%shift_right_arithmetic3A_146, %mul3A_150] : memref<256x128xf32, #tpu.memory_space<vmem>> -> memref<1x64xf32, #tpu.memory_space<vmem>>
      %dma_start3A_152 = tpu.memref_squeeze %dma_start3A_151 : memref<1x64xf32, #tpu.memory_space<vmem>> -> memref<64xf32, #tpu.memory_space<vmem>>
      %dma_start3A_153 = arith.constant 0 : i32
      %dma_start3A_154 = tpu.memref_slice %arg4[%squeeze3A_144, %dma_start3A_153] : memref<1000000x64xf32, #tpu.memory_space<hbm>> -> memref<1x64xf32, #tpu.memory_space<hbm>>
      %dma_start3A_155 = tpu.memref_squeeze %dma_start3A_154 : memref<1x64xf32, #tpu.memory_space<hbm>> -> memref<64xf32, #tpu.memory_space<hbm>>
      %dma_start3A_156 = tpu.memref_slice %arg9[%shift_right_arithmetic3A_146, %mul3A_150] : memref<256x128xf32, #tpu.memory_space<vmem>> -> memref<1x64xf32, #tpu.memory_space<vmem>>
      %dma_start3A_157 = tpu.memref_squeeze %dma_start3A_156 : memref<1x64xf32, #tpu.memory_space<vmem>> -> memref<64xf32, #tpu.memory_space<vmem>>
      %dma_start3A_158 = arith.constant 0 : i32
      %dma_start3A_159 = tpu.memref_slice %arg4[%squeeze3A_144, %dma_start3A_158] : memref<1000000x64xf32, #tpu.memory_space<hbm>> -> memref<1x64xf32, #tpu.memory_space<hbm>>
      %dma_start3A_160 = tpu.memref_squeeze %dma_start3A_159 : memref<1x64xf32, #tpu.memory_space<hbm>> -> memref<64xf32, #tpu.memory_space<hbm>>
      tpu.enqueue_dma source(%dma_start3A_160 : memref<64xf32, #tpu.memory_space<hbm>>) target(%dma_start3A_157 : memref<64xf32, #tpu.memory_space<vmem>>) target_semaphore(%arg11 : memref<!tpu.dma_semaphore, #tpu.memory_space<semaphore_mem>>)
      %mul3A_161 = arith.constant 16 : i32
      %mul3A_162 = arith.muli %scan3A_73, %mul3A_161 : i32
      %add3A_163 = arith.constant 4 : i32
      %add3A_164 = arith.addi %mul3A_162, %add3A_163 : i32
      %slice3A_165 = vector.extract_strided_slice %get3A_76 {offsets = [4], sizes = [1], strides = [1]} : vector<16xi32> to vector<1xi32>
      %squeeze3A_166 = vector.extract %slice3A_165[0] : i32 from vector<1xi32>
      %shift_right_arithmetic3A_167 = arith.constant 1 : i32
      %shift_right_arithmetic3A_168 = arith.shrsi %add3A_164, %shift_right_arithmetic3A_167 : i32
      %and3A_169 = arith.constant 1 : i32
      %and3A_170 = arith.andi %add3A_164, %and3A_169 : i32
      %mul3A_171 = arith.constant 64 : i32
      %mul3A_172 = arith.muli %and3A_170, %mul3A_171 : i32
      %dma_start3A_173 = tpu.memref_slice %arg9[%shift_right_arithmetic3A_168, %mul3A_172] : memref<256x128xf32, #tpu.memory_space<vmem>> -> memref<1x64xf32, #tpu.memory_space<vmem>>
      %dma_start3A_174 = tpu.memref_squeeze %dma_start3A_173 : memref<1x64xf32, #tpu.memory_space<vmem>> -> memref<64xf32, #tpu.memory_space<vmem>>
      %dma_start3A_175 = arith.constant 0 : i32
      %dma_start3A_176 = tpu.memref_slice %arg4[%squeeze3A_166, %dma_start3A_175] : memref<1000000x64xf32, #tpu.memory_space<hbm>> -> memref<1x64xf32, #tpu.memory_space<hbm>>
      %dma_start3A_177 = tpu.memref_squeeze %dma_start3A_176 : memref<1x64xf32, #tpu.memory_space<hbm>> -> memref<64xf32, #tpu.memory_space<hbm>>
      %dma_start3A_178 = tpu.memref_slice %arg9[%shift_right_arithmetic3A_168, %mul3A_172] : memref<256x128xf32, #tpu.memory_space<vmem>> -> memref<1x64xf32, #tpu.memory_space<vmem>>
      %dma_start3A_179 = tpu.memref_squeeze %dma_start3A_178 : memref<1x64xf32, #tpu.memory_space<vmem>> -> memref<64xf32, #tpu.memory_space<vmem>>
      %dma_start3A_180 = arith.constant 0 : i32
      %dma_start3A_181 = tpu.memref_slice %arg4[%squeeze3A_166, %dma_start3A_180] : memref<1000000x64xf32, #tpu.memory_space<hbm>> -> memref<1x64xf32, #tpu.memory_space<hbm>>
      %dma_start3A_182 = tpu.memref_squeeze %dma_start3A_181 : memref<1x64xf32, #tpu.memory_space<hbm>> -> memref<64xf32, #tpu.memory_space<hbm>>
      tpu.enqueue_dma source(%dma_start3A_182 : memref<64xf32, #tpu.memory_space<hbm>>) target(%dma_start3A_179 : memref<64xf32, #tpu.memory_space<vmem>>) target_semaphore(%arg11 : memref<!tpu.dma_semaphore, #tpu.memory_space<semaphore_mem>>)
      %mul3A_183 = arith.constant 16 : i32
      %mul3A_184 = arith.muli %scan3A_73, %mul3A_183 : i32
      %add3A_185 = arith.constant 5 : i32
      %add3A_186 = arith.addi %mul3A_184, %add3A_185 : i32
      %slice3A_187 = vector.extract_strided_slice %get3A_76 {offsets = [5], sizes = [1], strides = [1]} : vector<16xi32> to vector<1xi32>
      %squeeze3A_188 = vector.extract %slice3A_187[0] : i32 from vector<1xi32>
      %shift_right_arithmetic3A_189 = arith.constant 1 : i32
      %shift_right_arithmetic3A_190 = arith.shrsi %add3A_186, %shift_right_arithmetic3A_189 : i32
      %and3A_191 = arith.constant 1 : i32
      %and3A_192 = arith.andi %add3A_186, %and3A_191 : i32
      %mul3A_193 = arith.constant 64 : i32
      %mul3A_194 = arith.muli %and3A_192, %mul3A_193 : i32
      %dma_start3A_195 = tpu.memref_slice %arg9[%shift_right_arithmetic3A_190, %mul3A_194] : memref<256x128xf32, #tpu.memory_space<vmem>> -> memref<1x64xf32, #tpu.memory_space<vmem>>
      %dma_start3A_196 = tpu.memref_squeeze %dma_start3A_195 : memref<1x64xf32, #tpu.memory_space<vmem>> -> memref<64xf32, #tpu.memory_space<vmem>>
      %dma_start3A_197 = arith.constant 0 : i32
      %dma_start3A_198 = tpu.memref_slice %arg4[%squeeze3A_188, %dma_start3A_197] : memref<1000000x64xf32, #tpu.memory_space<hbm>> -> memref<1x64xf32, #tpu.memory_space<hbm>>
      %dma_start3A_199 = tpu.memref_squeeze %dma_start3A_198 : memref<1x64xf32, #tpu.memory_space<hbm>> -> memref<64xf32, #tpu.memory_space<hbm>>
      %dma_start3A_200 = tpu.memref_slice %arg9[%shift_right_arithmetic3A_190, %mul3A_194] : memref<256x128xf32, #tpu.memory_space<vmem>> -> memref<1x64xf32, #tpu.memory_space<vmem>>
      %dma_start3A_201 = tpu.memref_squeeze %dma_start3A_200 : memref<1x64xf32, #tpu.memory_space<vmem>> -> memref<64xf32, #tpu.memory_space<vmem>>
      %dma_start3A_202 = arith.constant 0 : i32
      %dma_start3A_203 = tpu.memref_slice %arg4[%squeeze3A_188, %dma_start3A_202] : memref<1000000x64xf32, #tpu.memory_space<hbm>> -> memref<1x64xf32, #tpu.memory_space<hbm>>
      %dma_start3A_204 = tpu.memref_squeeze %dma_start3A_203 : memref<1x64xf32, #tpu.memory_space<hbm>> -> memref<64xf32, #tpu.memory_space<hbm>>
      tpu.enqueue_dma source(%dma_start3A_204 : memref<64xf32, #tpu.memory_space<hbm>>) target(%dma_start3A_201 : memref<64xf32, #tpu.memory_space<vmem>>) target_semaphore(%arg11 : memref<!tpu.dma_semaphore, #tpu.memory_space<semaphore_mem>>)
      %mul3A_205 = arith.constant 16 : i32
      %mul3A_206 = arith.muli %scan3A_73, %mul3A_205 : i32
      %add3A_207 = arith.constant 6 : i32
      %add3A_208 = arith.addi %mul3A_206, %add3A_207 : i32
      %slice3A_209 = vector.extract_strided_slice %get3A_76 {offsets = [6], sizes = [1], strides = [1]} : vector<16xi32> to vector<1xi32>
      %squeeze3A_210 = vector.extract %slice3A_209[0] : i32 from vector<1xi32>
      %shift_right_arithmetic3A_211 = arith.constant 1 : i32
      %shift_right_arithmetic3A_212 = arith.shrsi %add3A_208, %shift_right_arithmetic3A_211 : i32
      %and3A_213 = arith.constant 1 : i32
      %and3A_214 = arith.andi %add3A_208, %and3A_213 : i32
      %mul3A_215 = arith.constant 64 : i32
      %mul3A_216 = arith.muli %and3A_214, %mul3A_215 : i32
      %dma_start3A_217 = tpu.memref_slice %arg9[%shift_right_arithmetic3A_212, %mul3A_216] : memref<256x128xf32, #tpu.memory_space<vmem>> -> memref<1x64xf32, #tpu.memory_space<vmem>>
      %dma_start3A_218 = tpu.memref_squeeze %dma_start3A_217 : memref<1x64xf32, #tpu.memory_space<vmem>> -> memref<64xf32, #tpu.memory_space<vmem>>
      %dma_start3A_219 = arith.constant 0 : i32
      %dma_start3A_220 = tpu.memref_slice %arg4[%squeeze3A_210, %dma_start3A_219] : memref<1000000x64xf32, #tpu.memory_space<hbm>> -> memref<1x64xf32, #tpu.memory_space<hbm>>
      %dma_start3A_221 = tpu.memref_squeeze %dma_start3A_220 : memref<1x64xf32, #tpu.memory_space<hbm>> -> memref<64xf32, #tpu.memory_space<hbm>>
      %dma_start3A_222 = tpu.memref_slice %arg9[%shift_right_arithmetic3A_212, %mul3A_216] : memref<256x128xf32, #tpu.memory_space<vmem>> -> memref<1x64xf32, #tpu.memory_space<vmem>>
      %dma_start3A_223 = tpu.memref_squeeze %dma_start3A_222 : memref<1x64xf32, #tpu.memory_space<vmem>> -> memref<64xf32, #tpu.memory_space<vmem>>
      %dma_start3A_224 = arith.constant 0 : i32
      %dma_start3A_225 = tpu.memref_slice %arg4[%squeeze3A_210, %dma_start3A_224] : memref<1000000x64xf32, #tpu.memory_space<hbm>> -> memref<1x64xf32, #tpu.memory_space<hbm>>
      %dma_start3A_226 = tpu.memref_squeeze %dma_start3A_225 : memref<1x64xf32, #tpu.memory_space<hbm>> -> memref<64xf32, #tpu.memory_space<hbm>>
      tpu.enqueue_dma source(%dma_start3A_226 : memref<64xf32, #tpu.memory_space<hbm>>) target(%dma_start3A_223 : memref<64xf32, #tpu.memory_space<vmem>>) target_semaphore(%arg11 : memref<!tpu.dma_semaphore, #tpu.memory_space<semaphore_mem>>)
      %mul3A_227 = arith.constant 16 : i32
      %mul3A_228 = arith.muli %scan3A_73, %mul3A_227 : i32
      %add3A_229 = arith.constant 7 : i32
      %add3A_230 = arith.addi %mul3A_228, %add3A_229 : i32
      %slice3A_231 = vector.extract_strided_slice %get3A_76 {offsets = [7], sizes = [1], strides = [1]} : vector<16xi32> to vector<1xi32>
      %squeeze3A_232 = vector.extract %slice3A_231[0] : i32 from vector<1xi32>
      %shift_right_arithmetic3A_233 = arith.constant 1 : i32
      %shift_right_arithmetic3A_234 = arith.shrsi %add3A_230, %shift_right_arithmetic3A_233 : i32
      %and3A_235 = arith.constant 1 : i32
      %and3A_236 = arith.andi %add3A_230, %and3A_235 : i32
      %mul3A_237 = arith.constant 64 : i32
      %mul3A_238 = arith.muli %and3A_236, %mul3A_237 : i32
      %dma_start3A_239 = tpu.memref_slice %arg9[%shift_right_arithmetic3A_234, %mul3A_238] : memref<256x128xf32, #tpu.memory_space<vmem>> -> memref<1x64xf32, #tpu.memory_space<vmem>>
      %dma_start3A_240 = tpu.memref_squeeze %dma_start3A_239 : memref<1x64xf32, #tpu.memory_space<vmem>> -> memref<64xf32, #tpu.memory_space<vmem>>
      %dma_start3A_241 = arith.constant 0 : i32
      %dma_start3A_242 = tpu.memref_slice %arg4[%squeeze3A_232, %dma_start3A_241] : memref<1000000x64xf32, #tpu.memory_space<hbm>> -> memref<1x64xf32, #tpu.memory_space<hbm>>
      %dma_start3A_243 = tpu.memref_squeeze %dma_start3A_242 : memref<1x64xf32, #tpu.memory_space<hbm>> -> memref<64xf32, #tpu.memory_space<hbm>>
      %dma_start3A_244 = tpu.memref_slice %arg9[%shift_right_arithmetic3A_234, %mul3A_238] : memref<256x128xf32, #tpu.memory_space<vmem>> -> memref<1x64xf32, #tpu.memory_space<vmem>>
      %dma_start3A_245 = tpu.memref_squeeze %dma_start3A_244 : memref<1x64xf32, #tpu.memory_space<vmem>> -> memref<64xf32, #tpu.memory_space<vmem>>
      %dma_start3A_246 = arith.constant 0 : i32
      %dma_start3A_247 = tpu.memref_slice %arg4[%squeeze3A_232, %dma_start3A_246] : memref<1000000x64xf32, #tpu.memory_space<hbm>> -> memref<1x64xf32, #tpu.memory_space<hbm>>
      %dma_start3A_248 = tpu.memref_squeeze %dma_start3A_247 : memref<1x64xf32, #tpu.memory_space<hbm>> -> memref<64xf32, #tpu.memory_space<hbm>>
      tpu.enqueue_dma source(%dma_start3A_248 : memref<64xf32, #tpu.memory_space<hbm>>) target(%dma_start3A_245 : memref<64xf32, #tpu.memory_space<vmem>>) target_semaphore(%arg11 : memref<!tpu.dma_semaphore, #tpu.memory_space<semaphore_mem>>)
      %mul3A_249 = arith.constant 16 : i32
      %mul3A_250 = arith.muli %scan3A_73, %mul3A_249 : i32
      %add3A_251 = arith.constant 8 : i32
      %add3A_252 = arith.addi %mul3A_250, %add3A_251 : i32
      %slice3A_253 = vector.extract_strided_slice %get3A_76 {offsets = [8], sizes = [1], strides = [1]} : vector<16xi32> to vector<1xi32>
      %squeeze3A_254 = vector.extract %slice3A_253[0] : i32 from vector<1xi32>
      %shift_right_arithmetic3A_255 = arith.constant 1 : i32
      %shift_right_arithmetic3A_256 = arith.shrsi %add3A_252, %shift_right_arithmetic3A_255 : i32
      %and3A_257 = arith.constant 1 : i32
      %and3A_258 = arith.andi %add3A_252, %and3A_257 : i32
      %mul3A_259 = arith.constant 64 : i32
      %mul3A_260 = arith.muli %and3A_258, %mul3A_259 : i32
      %dma_start3A_261 = tpu.memref_slice %arg9[%shift_right_arithmetic3A_256, %mul3A_260] : memref<256x128xf32, #tpu.memory_space<vmem>> -> memref<1x64xf32, #tpu.memory_space<vmem>>
      %dma_start3A_262 = tpu.memref_squeeze %dma_start3A_261 : memref<1x64xf32, #tpu.memory_space<vmem>> -> memref<64xf32, #tpu.memory_space<vmem>>
      %dma_start3A_263 = arith.constant 0 : i32
      %dma_start3A_264 = tpu.memref_slice %arg4[%squeeze3A_254, %dma_start3A_263] : memref<1000000x64xf32, #tpu.memory_space<hbm>> -> memref<1x64xf32, #tpu.memory_space<hbm>>
      %dma_start3A_265 = tpu.memref_squeeze %dma_start3A_264 : memref<1x64xf32, #tpu.memory_space<hbm>> -> memref<64xf32, #tpu.memory_space<hbm>>
      %dma_start3A_266 = tpu.memref_slice %arg9[%shift_right_arithmetic3A_256, %mul3A_260] : memref<256x128xf32, #tpu.memory_space<vmem>> -> memref<1x64xf32, #tpu.memory_space<vmem>>
      %dma_start3A_267 = tpu.memref_squeeze %dma_start3A_266 : memref<1x64xf32, #tpu.memory_space<vmem>> -> memref<64xf32, #tpu.memory_space<vmem>>
      %dma_start3A_268 = arith.constant 0 : i32
      %dma_start3A_269 = tpu.memref_slice %arg4[%squeeze3A_254, %dma_start3A_268] : memref<1000000x64xf32, #tpu.memory_space<hbm>> -> memref<1x64xf32, #tpu.memory_space<hbm>>
      %dma_start3A_270 = tpu.memref_squeeze %dma_start3A_269 : memref<1x64xf32, #tpu.memory_space<hbm>> -> memref<64xf32, #tpu.memory_space<hbm>>
      tpu.enqueue_dma source(%dma_start3A_270 : memref<64xf32, #tpu.memory_space<hbm>>) target(%dma_start3A_267 : memref<64xf32, #tpu.memory_space<vmem>>) target_semaphore(%arg11 : memref<!tpu.dma_semaphore, #tpu.memory_space<semaphore_mem>>)
      %mul3A_271 = arith.constant 16 : i32
      %mul3A_272 = arith.muli %scan3A_73, %mul3A_271 : i32
      %add3A_273 = arith.constant 9 : i32
      %add3A_274 = arith.addi %mul3A_272, %add3A_273 : i32
      %slice3A_275 = vector.extract_strided_slice %get3A_76 {offsets = [9], sizes = [1], strides = [1]} : vector<16xi32> to vector<1xi32>
      %squeeze3A_276 = vector.extract %slice3A_275[0] : i32 from vector<1xi32>
      %shift_right_arithmetic3A_277 = arith.constant 1 : i32
      %shift_right_arithmetic3A_278 = arith.shrsi %add3A_274, %shift_right_arithmetic3A_277 : i32
      %and3A_279 = arith.constant 1 : i32
      %and3A_280 = arith.andi %add3A_274, %and3A_279 : i32
      %mul3A_281 = arith.constant 64 : i32
      %mul3A_282 = arith.muli %and3A_280, %mul3A_281 : i32
      %dma_start3A_283 = tpu.memref_slice %arg9[%shift_right_arithmetic3A_278, %mul3A_282] : memref<256x128xf32, #tpu.memory_space<vmem>> -> memref<1x64xf32, #tpu.memory_space<vmem>>
      %dma_start3A_284 = tpu.memref_squeeze %dma_start3A_283 : memref<1x64xf32, #tpu.memory_space<vmem>> -> memref<64xf32, #tpu.memory_space<vmem>>
      %dma_start3A_285 = arith.constant 0 : i32
      %dma_start3A_286 = tpu.memref_slice %arg4[%squeeze3A_276, %dma_start3A_285] : memref<1000000x64xf32, #tpu.memory_space<hbm>> -> memref<1x64xf32, #tpu.memory_space<hbm>>
      %dma_start3A_287 = tpu.memref_squeeze %dma_start3A_286 : memref<1x64xf32, #tpu.memory_space<hbm>> -> memref<64xf32, #tpu.memory_space<hbm>>
      %dma_start3A_288 = tpu.memref_slice %arg9[%shift_right_arithmetic3A_278, %mul3A_282] : memref<256x128xf32, #tpu.memory_space<vmem>> -> memref<1x64xf32, #tpu.memory_space<vmem>>
      %dma_start3A_289 = tpu.memref_squeeze %dma_start3A_288 : memref<1x64xf32, #tpu.memory_space<vmem>> -> memref<64xf32, #tpu.memory_space<vmem>>
      %dma_start3A_290 = arith.constant 0 : i32
      %dma_start3A_291 = tpu.memref_slice %arg4[%squeeze3A_276, %dma_start3A_290] : memref<1000000x64xf32, #tpu.memory_space<hbm>> -> memref<1x64xf32, #tpu.memory_space<hbm>>
      %dma_start3A_292 = tpu.memref_squeeze %dma_start3A_291 : memref<1x64xf32, #tpu.memory_space<hbm>> -> memref<64xf32, #tpu.memory_space<hbm>>
      tpu.enqueue_dma source(%dma_start3A_292 : memref<64xf32, #tpu.memory_space<hbm>>) target(%dma_start3A_289 : memref<64xf32, #tpu.memory_space<vmem>>) target_semaphore(%arg11 : memref<!tpu.dma_semaphore, #tpu.memory_space<semaphore_mem>>)
      %mul3A_293 = arith.constant 16 : i32
      %mul3A_294 = arith.muli %scan3A_73, %mul3A_293 : i32
      %add3A_295 = arith.constant 10 : i32
      %add3A_296 = arith.addi %mul3A_294, %add3A_295 : i32
      %slice3A_297 = vector.extract_strided_slice %get3A_76 {offsets = [10], sizes = [1], strides = [1]} : vector<16xi32> to vector<1xi32>
      %squeeze3A_298 = vector.extract %slice3A_297[0] : i32 from vector<1xi32>
      %shift_right_arithmetic3A_299 = arith.constant 1 : i32
      %shift_right_arithmetic3A_300 = arith.shrsi %add3A_296, %shift_right_arithmetic3A_299 : i32
      %and3A_301 = arith.constant 1 : i32
      %and3A_302 = arith.andi %add3A_296, %and3A_301 : i32
      %mul3A_303 = arith.constant 64 : i32
      %mul3A_304 = arith.muli %and3A_302, %mul3A_303 : i32
      %dma_start3A_305 = tpu.memref_slice %arg9[%shift_right_arithmetic3A_300, %mul3A_304] : memref<256x128xf32, #tpu.memory_space<vmem>> -> memref<1x64xf32, #tpu.memory_space<vmem>>
      %dma_start3A_306 = tpu.memref_squeeze %dma_start3A_305 : memref<1x64xf32, #tpu.memory_space<vmem>> -> memref<64xf32, #tpu.memory_space<vmem>>
      %dma_start3A_307 = arith.constant 0 : i32
      %dma_start3A_308 = tpu.memref_slice %arg4[%squeeze3A_298, %dma_start3A_307] : memref<1000000x64xf32, #tpu.memory_space<hbm>> -> memref<1x64xf32, #tpu.memory_space<hbm>>
      %dma_start3A_309 = tpu.memref_squeeze %dma_start3A_308 : memref<1x64xf32, #tpu.memory_space<hbm>> -> memref<64xf32, #tpu.memory_space<hbm>>
      %dma_start3A_310 = tpu.memref_slice %arg9[%shift_right_arithmetic3A_300, %mul3A_304] : memref<256x128xf32, #tpu.memory_space<vmem>> -> memref<1x64xf32, #tpu.memory_space<vmem>>
      %dma_start3A_311 = tpu.memref_squeeze %dma_start3A_310 : memref<1x64xf32, #tpu.memory_space<vmem>> -> memref<64xf32, #tpu.memory_space<vmem>>
      %dma_start3A_312 = arith.constant 0 : i32
      %dma_start3A_313 = tpu.memref_slice %arg4[%squeeze3A_298, %dma_start3A_312] : memref<1000000x64xf32, #tpu.memory_space<hbm>> -> memref<1x64xf32, #tpu.memory_space<hbm>>
      %dma_start3A_314 = tpu.memref_squeeze %dma_start3A_313 : memref<1x64xf32, #tpu.memory_space<hbm>> -> memref<64xf32, #tpu.memory_space<hbm>>
      tpu.enqueue_dma source(%dma_start3A_314 : memref<64xf32, #tpu.memory_space<hbm>>) target(%dma_start3A_311 : memref<64xf32, #tpu.memory_space<vmem>>) target_semaphore(%arg11 : memref<!tpu.dma_semaphore, #tpu.memory_space<semaphore_mem>>)
      %mul3A_315 = arith.constant 16 : i32
      %mul3A_316 = arith.muli %scan3A_73, %mul3A_315 : i32
      %add3A_317 = arith.constant 11 : i32
      %add3A_318 = arith.addi %mul3A_316, %add3A_317 : i32
      %slice3A_319 = vector.extract_strided_slice %get3A_76 {offsets = [11], sizes = [1], strides = [1]} : vector<16xi32> to vector<1xi32>
      %squeeze3A_320 = vector.extract %slice3A_319[0] : i32 from vector<1xi32>
      %shift_right_arithmetic3A_321 = arith.constant 1 : i32
      %shift_right_arithmetic3A_322 = arith.shrsi %add3A_318, %shift_right_arithmetic3A_321 : i32
      %and3A_323 = arith.constant 1 : i32
      %and3A_324 = arith.andi %add3A_318, %and3A_323 : i32
      %mul3A_325 = arith.constant 64 : i32
      %mul3A_326 = arith.muli %and3A_324, %mul3A_325 : i32
      %dma_start3A_327 = tpu.memref_slice %arg9[%shift_right_arithmetic3A_322, %mul3A_326] : memref<256x128xf32, #tpu.memory_space<vmem>> -> memref<1x64xf32, #tpu.memory_space<vmem>>
      %dma_start3A_328 = tpu.memref_squeeze %dma_start3A_327 : memref<1x64xf32, #tpu.memory_space<vmem>> -> memref<64xf32, #tpu.memory_space<vmem>>
      %dma_start3A_329 = arith.constant 0 : i32
      %dma_start3A_330 = tpu.memref_slice %arg4[%squeeze3A_320, %dma_start3A_329] : memref<1000000x64xf32, #tpu.memory_space<hbm>> -> memref<1x64xf32, #tpu.memory_space<hbm>>
      %dma_start3A_331 = tpu.memref_squeeze %dma_start3A_330 : memref<1x64xf32, #tpu.memory_space<hbm>> -> memref<64xf32, #tpu.memory_space<hbm>>
      %dma_start3A_332 = tpu.memref_slice %arg9[%shift_right_arithmetic3A_322, %mul3A_326] : memref<256x128xf32, #tpu.memory_space<vmem>> -> memref<1x64xf32, #tpu.memory_space<vmem>>
      %dma_start3A_333 = tpu.memref_squeeze %dma_start3A_332 : memref<1x64xf32, #tpu.memory_space<vmem>> -> memref<64xf32, #tpu.memory_space<vmem>>
      %dma_start3A_334 = arith.constant 0 : i32
      %dma_start3A_335 = tpu.memref_slice %arg4[%squeeze3A_320, %dma_start3A_334] : memref<1000000x64xf32, #tpu.memory_space<hbm>> -> memref<1x64xf32, #tpu.memory_space<hbm>>
      %dma_start3A_336 = tpu.memref_squeeze %dma_start3A_335 : memref<1x64xf32, #tpu.memory_space<hbm>> -> memref<64xf32, #tpu.memory_space<hbm>>
      tpu.enqueue_dma source(%dma_start3A_336 : memref<64xf32, #tpu.memory_space<hbm>>) target(%dma_start3A_333 : memref<64xf32, #tpu.memory_space<vmem>>) target_semaphore(%arg11 : memref<!tpu.dma_semaphore, #tpu.memory_space<semaphore_mem>>)
      %mul3A_337 = arith.constant 16 : i32
      %mul3A_338 = arith.muli %scan3A_73, %mul3A_337 : i32
      %add3A_339 = arith.constant 12 : i32
      %add3A_340 = arith.addi %mul3A_338, %add3A_339 : i32
      %slice3A_341 = vector.extract_strided_slice %get3A_76 {offsets = [12], sizes = [1], strides = [1]} : vector<16xi32> to vector<1xi32>
      %squeeze3A_342 = vector.extract %slice3A_341[0] : i32 from vector<1xi32>
      %shift_right_arithmetic3A_343 = arith.constant 1 : i32
      %shift_right_arithmetic3A_344 = arith.shrsi %add3A_340, %shift_right_arithmetic3A_343 : i32
      %and3A_345 = arith.constant 1 : i32
      %and3A_346 = arith.andi %add3A_340, %and3A_345 : i32
      %mul3A_347 = arith.constant 64 : i32
      %mul3A_348 = arith.muli %and3A_346, %mul3A_347 : i32
      %dma_start3A_349 = tpu.memref_slice %arg9[%shift_right_arithmetic3A_344, %mul3A_348] : memref<256x128xf32, #tpu.memory_space<vmem>> -> memref<1x64xf32, #tpu.memory_space<vmem>>
      %dma_start3A_350 = tpu.memref_squeeze %dma_start3A_349 : memref<1x64xf32, #tpu.memory_space<vmem>> -> memref<64xf32, #tpu.memory_space<vmem>>
      %dma_start3A_351 = arith.constant 0 : i32
      %dma_start3A_352 = tpu.memref_slice %arg4[%squeeze3A_342, %dma_start3A_351] : memref<1000000x64xf32, #tpu.memory_space<hbm>> -> memref<1x64xf32, #tpu.memory_space<hbm>>
      %dma_start3A_353 = tpu.memref_squeeze %dma_start3A_352 : memref<1x64xf32, #tpu.memory_space<hbm>> -> memref<64xf32, #tpu.memory_space<hbm>>
      %dma_start3A_354 = tpu.memref_slice %arg9[%shift_right_arithmetic3A_344, %mul3A_348] : memref<256x128xf32, #tpu.memory_space<vmem>> -> memref<1x64xf32, #tpu.memory_space<vmem>>
      %dma_start3A_355 = tpu.memref_squeeze %dma_start3A_354 : memref<1x64xf32, #tpu.memory_space<vmem>> -> memref<64xf32, #tpu.memory_space<vmem>>
      %dma_start3A_356 = arith.constant 0 : i32
      %dma_start3A_357 = tpu.memref_slice %arg4[%squeeze3A_342, %dma_start3A_356] : memref<1000000x64xf32, #tpu.memory_space<hbm>> -> memref<1x64xf32, #tpu.memory_space<hbm>>
      %dma_start3A_358 = tpu.memref_squeeze %dma_start3A_357 : memref<1x64xf32, #tpu.memory_space<hbm>> -> memref<64xf32, #tpu.memory_space<hbm>>
      tpu.enqueue_dma source(%dma_start3A_358 : memref<64xf32, #tpu.memory_space<hbm>>) target(%dma_start3A_355 : memref<64xf32, #tpu.memory_space<vmem>>) target_semaphore(%arg11 : memref<!tpu.dma_semaphore, #tpu.memory_space<semaphore_mem>>)
      %mul3A_359 = arith.constant 16 : i32
      %mul3A_360 = arith.muli %scan3A_73, %mul3A_359 : i32
      %add3A_361 = arith.constant 13 : i32
      %add3A_362 = arith.addi %mul3A_360, %add3A_361 : i32
      %slice3A_363 = vector.extract_strided_slice %get3A_76 {offsets = [13], sizes = [1], strides = [1]} : vector<16xi32> to vector<1xi32>
      %squeeze3A_364 = vector.extract %slice3A_363[0] : i32 from vector<1xi32>
      %shift_right_arithmetic3A_365 = arith.constant 1 : i32
      %shift_right_arithmetic3A_366 = arith.shrsi %add3A_362, %shift_right_arithmetic3A_365 : i32
      %and3A_367 = arith.constant 1 : i32
      %and3A_368 = arith.andi %add3A_362, %and3A_367 : i32
      %mul3A_369 = arith.constant 64 : i32
      %mul3A_370 = arith.muli %and3A_368, %mul3A_369 : i32
      %dma_start3A_371 = tpu.memref_slice %arg9[%shift_right_arithmetic3A_366, %mul3A_370] : memref<256x128xf32, #tpu.memory_space<vmem>> -> memref<1x64xf32, #tpu.memory_space<vmem>>
      %dma_start3A_372 = tpu.memref_squeeze %dma_start3A_371 : memref<1x64xf32, #tpu.memory_space<vmem>> -> memref<64xf32, #tpu.memory_space<vmem>>
      %dma_start3A_373 = arith.constant 0 : i32
      %dma_start3A_374 = tpu.memref_slice %arg4[%squeeze3A_364, %dma_start3A_373] : memref<1000000x64xf32, #tpu.memory_space<hbm>> -> memref<1x64xf32, #tpu.memory_space<hbm>>
      %dma_start3A_375 = tpu.memref_squeeze %dma_start3A_374 : memref<1x64xf32, #tpu.memory_space<hbm>> -> memref<64xf32, #tpu.memory_space<hbm>>
      %dma_start3A_376 = tpu.memref_slice %arg9[%shift_right_arithmetic3A_366, %mul3A_370] : memref<256x128xf32, #tpu.memory_space<vmem>> -> memref<1x64xf32, #tpu.memory_space<vmem>>
      %dma_start3A_377 = tpu.memref_squeeze %dma_start3A_376 : memref<1x64xf32, #tpu.memory_space<vmem>> -> memref<64xf32, #tpu.memory_space<vmem>>
      %dma_start3A_378 = arith.constant 0 : i32
      %dma_start3A_379 = tpu.memref_slice %arg4[%squeeze3A_364, %dma_start3A_378] : memref<1000000x64xf32, #tpu.memory_space<hbm>> -> memref<1x64xf32, #tpu.memory_space<hbm>>
      %dma_start3A_380 = tpu.memref_squeeze %dma_start3A_379 : memref<1x64xf32, #tpu.memory_space<hbm>> -> memref<64xf32, #tpu.memory_space<hbm>>
      tpu.enqueue_dma source(%dma_start3A_380 : memref<64xf32, #tpu.memory_space<hbm>>) target(%dma_start3A_377 : memref<64xf32, #tpu.memory_space<vmem>>) target_semaphore(%arg11 : memref<!tpu.dma_semaphore, #tpu.memory_space<semaphore_mem>>)
      %mul3A_381 = arith.constant 16 : i32
      %mul3A_382 = arith.muli %scan3A_73, %mul3A_381 : i32
      %add3A_383 = arith.constant 14 : i32
      %add3A_384 = arith.addi %mul3A_382, %add3A_383 : i32
      %slice3A_385 = vector.extract_strided_slice %get3A_76 {offsets = [14], sizes = [1], strides = [1]} : vector<16xi32> to vector<1xi32>
      %squeeze3A_386 = vector.extract %slice3A_385[0] : i32 from vector<1xi32>
      %shift_right_arithmetic3A_387 = arith.constant 1 : i32
      %shift_right_arithmetic3A_388 = arith.shrsi %add3A_384, %shift_right_arithmetic3A_387 : i32
      %and3A_389 = arith.constant 1 : i32
      %and3A_390 = arith.andi %add3A_384, %and3A_389 : i32
      %mul3A_391 = arith.constant 64 : i32
      %mul3A_392 = arith.muli %and3A_390, %mul3A_391 : i32
      %dma_start3A_393 = tpu.memref_slice %arg9[%shift_right_arithmetic3A_388, %mul3A_392] : memref<256x128xf32, #tpu.memory_space<vmem>> -> memref<1x64xf32, #tpu.memory_space<vmem>>
      %dma_start3A_394 = tpu.memref_squeeze %dma_start3A_393 : memref<1x64xf32, #tpu.memory_space<vmem>> -> memref<64xf32, #tpu.memory_space<vmem>>
      %dma_start3A_395 = arith.constant 0 : i32
      %dma_start3A_396 = tpu.memref_slice %arg4[%squeeze3A_386, %dma_start3A_395] : memref<1000000x64xf32, #tpu.memory_space<hbm>> -> memref<1x64xf32, #tpu.memory_space<hbm>>
      %dma_start3A_397 = tpu.memref_squeeze %dma_start3A_396 : memref<1x64xf32, #tpu.memory_space<hbm>> -> memref<64xf32, #tpu.memory_space<hbm>>
      %dma_start3A_398 = tpu.memref_slice %arg9[%shift_right_arithmetic3A_388, %mul3A_392] : memref<256x128xf32, #tpu.memory_space<vmem>> -> memref<1x64xf32, #tpu.memory_space<vmem>>
      %dma_start3A_399 = tpu.memref_squeeze %dma_start3A_398 : memref<1x64xf32, #tpu.memory_space<vmem>> -> memref<64xf32, #tpu.memory_space<vmem>>
      %dma_start3A_400 = arith.constant 0 : i32
      %dma_start3A_401 = tpu.memref_slice %arg4[%squeeze3A_386, %dma_start3A_400] : memref<1000000x64xf32, #tpu.memory_space<hbm>> -> memref<1x64xf32, #tpu.memory_space<hbm>>
      %dma_start3A_402 = tpu.memref_squeeze %dma_start3A_401 : memref<1x64xf32, #tpu.memory_space<hbm>> -> memref<64xf32, #tpu.memory_space<hbm>>
      tpu.enqueue_dma source(%dma_start3A_402 : memref<64xf32, #tpu.memory_space<hbm>>) target(%dma_start3A_399 : memref<64xf32, #tpu.memory_space<vmem>>) target_semaphore(%arg11 : memref<!tpu.dma_semaphore, #tpu.memory_space<semaphore_mem>>)
      %mul3A_403 = arith.constant 16 : i32
      %mul3A_404 = arith.muli %scan3A_73, %mul3A_403 : i32
      %add3A_405 = arith.constant 15 : i32
      %add3A_406 = arith.addi %mul3A_404, %add3A_405 : i32
      %slice3A_407 = vector.extract_strided_slice %get3A_76 {offsets = [15], sizes = [1], strides = [1]} : vector<16xi32> to vector<1xi32>
      %squeeze3A_408 = vector.extract %slice3A_407[0] : i32 from vector<1xi32>
      %shift_right_arithmetic3A_409 = arith.constant 1 : i32
      %shift_right_arithmetic3A_410 = arith.shrsi %add3A_406, %shift_right_arithmetic3A_409 : i32
      %and3A_411 = arith.constant 1 : i32
      %and3A_412 = arith.andi %add3A_406, %and3A_411 : i32
      %mul3A_413 = arith.constant 64 : i32
      %mul3A_414 = arith.muli %and3A_412, %mul3A_413 : i32
      %dma_start3A_415 = tpu.memref_slice %arg9[%shift_right_arithmetic3A_410, %mul3A_414] : memref<256x128xf32, #tpu.memory_space<vmem>> -> memref<1x64xf32, #tpu.memory_space<vmem>>
      %dma_start3A_416 = tpu.memref_squeeze %dma_start3A_415 : memref<1x64xf32, #tpu.memory_space<vmem>> -> memref<64xf32, #tpu.memory_space<vmem>>
      %dma_start3A_417 = arith.constant 0 : i32
      %dma_start3A_418 = tpu.memref_slice %arg4[%squeeze3A_408, %dma_start3A_417] : memref<1000000x64xf32, #tpu.memory_space<hbm>> -> memref<1x64xf32, #tpu.memory_space<hbm>>
      %dma_start3A_419 = tpu.memref_squeeze %dma_start3A_418 : memref<1x64xf32, #tpu.memory_space<hbm>> -> memref<64xf32, #tpu.memory_space<hbm>>
      %dma_start3A_420 = tpu.memref_slice %arg9[%shift_right_arithmetic3A_410, %mul3A_414] : memref<256x128xf32, #tpu.memory_space<vmem>> -> memref<1x64xf32, #tpu.memory_space<vmem>>
      %dma_start3A_421 = tpu.memref_squeeze %dma_start3A_420 : memref<1x64xf32, #tpu.memory_space<vmem>> -> memref<64xf32, #tpu.memory_space<vmem>>
      %dma_start3A_422 = arith.constant 0 : i32
      %dma_start3A_423 = tpu.memref_slice %arg4[%squeeze3A_408, %dma_start3A_422] : memref<1000000x64xf32, #tpu.memory_space<hbm>> -> memref<1x64xf32, #tpu.memory_space<hbm>>
      %dma_start3A_424 = tpu.memref_squeeze %dma_start3A_423 : memref<1x64xf32, #tpu.memory_space<hbm>> -> memref<64xf32, #tpu.memory_space<hbm>>
      tpu.enqueue_dma source(%dma_start3A_424 : memref<64xf32, #tpu.memory_space<hbm>>) target(%dma_start3A_421 : memref<64xf32, #tpu.memory_space<vmem>>) target_semaphore(%arg11 : memref<!tpu.dma_semaphore, #tpu.memory_space<semaphore_mem>>)
    }
    %scan3A_9 = arith.constant 32 : i32
    %scan3A_10 = arith.constant 0 : i32
    %scan3A_11 = arith.constant 0 : i32
    %scan3A_12 = arith.constant 32 : i32
    %scan3A_13 = arith.addi %scan3A_11, %scan3A_12 : i32
    %scan3A_14 = arith.constant 1 : i32
    scf.for %scan3A_73 = %scan3A_11 to %scan3A_13 step %scan3A_14  : i32 {
      %mul3A_74 = arith.constant 16 : i32
      %mul3A_75 = arith.muli %scan3A_73, %mul3A_74 : i32
      %get3A = arith.index_cast %mul3A_75 : i32 to index
      %get3A_76 = tpu.vector_load %arg8[%get3A] {strides = array<i32>} : memref<512xi32, #tpu.memory_space<vmem>>, vector<16xi32>,
      %mul3A_77 = arith.constant 16 : i32
      %mul3A_78 = arith.muli %scan3A_73, %mul3A_77 : i32
      %add3A_79 = arith.constant 0 : i32
      %add3A_80 = arith.addi %mul3A_78, %add3A_79 : i32
      %slice3A = vector.extract_strided_slice %get3A_76 {offsets = [0], sizes = [1], strides = [1]} : vector<16xi32> to vector<1xi32>
      %squeeze3A = vector.extract %slice3A[0] : i32 from vector<1xi32>
      %shift_right_arithmetic3A = arith.constant 1 : i32
      %shift_right_arithmetic3A_81 = arith.shrsi %add3A_80, %shift_right_arithmetic3A : i32
      %and3A = arith.constant 1 : i32
      %and3A_82 = arith.andi %add3A_80, %and3A : i32
      %mul3A_83 = arith.constant 64 : i32
      %mul3A_84 = arith.muli %and3A_82, %mul3A_83 : i32
      %dma_start3A_85 = tpu.memref_slice %arg10[%shift_right_arithmetic3A_81, %mul3A_84] : memref<256x128xf32, #tpu.memory_space<vmem>> -> memref<1x64xf32, #tpu.memory_space<vmem>>
      %dma_start3A_86 = tpu.memref_squeeze %dma_start3A_85 : memref<1x64xf32, #tpu.memory_space<vmem>> -> memref<64xf32, #tpu.memory_space<vmem>>
      %dma_start3A_87 = arith.constant 0 : i32
      %dma_start3A_88 = tpu.memref_slice %arg5[%squeeze3A, %dma_start3A_87] : memref<1000000x64xf32, #tpu.memory_space<hbm>> -> memref<1x64xf32, #tpu.memory_space<hbm>>
      %dma_start3A_89 = tpu.memref_squeeze %dma_start3A_88 : memref<1x64xf32, #tpu.memory_space<hbm>> -> memref<64xf32, #tpu.memory_space<hbm>>
      %dma_start3A_90 = tpu.memref_slice %arg10[%shift_right_arithmetic3A_81, %mul3A_84] : memref<256x128xf32, #tpu.memory_space<vmem>> -> memref<1x64xf32, #tpu.memory_space<vmem>>
      %dma_start3A_91 = tpu.memref_squeeze %dma_start3A_90 : memref<1x64xf32, #tpu.memory_space<vmem>> -> memref<64xf32, #tpu.memory_space<vmem>>
      %dma_start3A_92 = arith.constant 0 : i32
      %dma_start3A_93 = tpu.memref_slice %arg5[%squeeze3A, %dma_start3A_92] : memref<1000000x64xf32, #tpu.memory_space<hbm>> -> memref<1x64xf32, #tpu.memory_space<hbm>>
      %dma_start3A_94 = tpu.memref_squeeze %dma_start3A_93 : memref<1x64xf32, #tpu.memory_space<hbm>> -> memref<64xf32, #tpu.memory_space<hbm>>
      tpu.enqueue_dma source(%dma_start3A_94 : memref<64xf32, #tpu.memory_space<hbm>>) target(%dma_start3A_91 : memref<64xf32, #tpu.memory_space<vmem>>) target_semaphore(%arg12 : memref<!tpu.dma_semaphore, #tpu.memory_space<semaphore_mem>>)
      %mul3A_95 = arith.constant 16 : i32
      %mul3A_96 = arith.muli %scan3A_73, %mul3A_95 : i32
      %add3A_97 = arith.constant 1 : i32
      %add3A_98 = arith.addi %mul3A_96, %add3A_97 : i32
      %slice3A_99 = vector.extract_strided_slice %get3A_76 {offsets = [1], sizes = [1], strides = [1]} : vector<16xi32> to vector<1xi32>
      %squeeze3A_100 = vector.extract %slice3A_99[0] : i32 from vector<1xi32>
      %shift_right_arithmetic3A_101 = arith.constant 1 : i32
      %shift_right_arithmetic3A_102 = arith.shrsi %add3A_98, %shift_right_arithmetic3A_101 : i32
      %and3A_103 = arith.constant 1 : i32
      %and3A_104 = arith.andi %add3A_98, %and3A_103 : i32
      %mul3A_105 = arith.constant 64 : i32
      %mul3A_106 = arith.muli %and3A_104, %mul3A_105 : i32
      %dma_start3A_107 = tpu.memref_slice %arg10[%shift_right_arithmetic3A_102, %mul3A_106] : memref<256x128xf32, #tpu.memory_space<vmem>> -> memref<1x64xf32, #tpu.memory_space<vmem>>
      %dma_start3A_108 = tpu.memref_squeeze %dma_start3A_107 : memref<1x64xf32, #tpu.memory_space<vmem>> -> memref<64xf32, #tpu.memory_space<vmem>>
      %dma_start3A_109 = arith.constant 0 : i32
      %dma_start3A_110 = tpu.memref_slice %arg5[%squeeze3A_100, %dma_start3A_109] : memref<1000000x64xf32, #tpu.memory_space<hbm>> -> memref<1x64xf32, #tpu.memory_space<hbm>>
      %dma_start3A_111 = tpu.memref_squeeze %dma_start3A_110 : memref<1x64xf32, #tpu.memory_space<hbm>> -> memref<64xf32, #tpu.memory_space<hbm>>
      %dma_start3A_112 = tpu.memref_slice %arg10[%shift_right_arithmetic3A_102, %mul3A_106] : memref<256x128xf32, #tpu.memory_space<vmem>> -> memref<1x64xf32, #tpu.memory_space<vmem>>
      %dma_start3A_113 = tpu.memref_squeeze %dma_start3A_112 : memref<1x64xf32, #tpu.memory_space<vmem>> -> memref<64xf32, #tpu.memory_space<vmem>>
      %dma_start3A_114 = arith.constant 0 : i32
      %dma_start3A_115 = tpu.memref_slice %arg5[%squeeze3A_100, %dma_start3A_114] : memref<1000000x64xf32, #tpu.memory_space<hbm>> -> memref<1x64xf32, #tpu.memory_space<hbm>>
      %dma_start3A_116 = tpu.memref_squeeze %dma_start3A_115 : memref<1x64xf32, #tpu.memory_space<hbm>> -> memref<64xf32, #tpu.memory_space<hbm>>
      tpu.enqueue_dma source(%dma_start3A_116 : memref<64xf32, #tpu.memory_space<hbm>>) target(%dma_start3A_113 : memref<64xf32, #tpu.memory_space<vmem>>) target_semaphore(%arg12 : memref<!tpu.dma_semaphore, #tpu.memory_space<semaphore_mem>>)
      %mul3A_117 = arith.constant 16 : i32
      %mul3A_118 = arith.muli %scan3A_73, %mul3A_117 : i32
      %add3A_119 = arith.constant 2 : i32
      %add3A_120 = arith.addi %mul3A_118, %add3A_119 : i32
      %slice3A_121 = vector.extract_strided_slice %get3A_76 {offsets = [2], sizes = [1], strides = [1]} : vector<16xi32> to vector<1xi32>
      %squeeze3A_122 = vector.extract %slice3A_121[0] : i32 from vector<1xi32>
      %shift_right_arithmetic3A_123 = arith.constant 1 : i32
      %shift_right_arithmetic3A_124 = arith.shrsi %add3A_120, %shift_right_arithmetic3A_123 : i32
      %and3A_125 = arith.constant 1 : i32
      %and3A_126 = arith.andi %add3A_120, %and3A_125 : i32
      %mul3A_127 = arith.constant 64 : i32
      %mul3A_128 = arith.muli %and3A_126, %mul3A_127 : i32
      %dma_start3A_129 = tpu.memref_slice %arg10[%shift_right_arithmetic3A_124, %mul3A_128] : memref<256x128xf32, #tpu.memory_space<vmem>> -> memref<1x64xf32, #tpu.memory_space<vmem>>
      %dma_start3A_130 = tpu.memref_squeeze %dma_start3A_129 : memref<1x64xf32, #tpu.memory_space<vmem>> -> memref<64xf32, #tpu.memory_space<vmem>>
      %dma_start3A_131 = arith.constant 0 : i32
      %dma_start3A_132 = tpu.memref_slice %arg5[%squeeze3A_122, %dma_start3A_131] : memref<1000000x64xf32, #tpu.memory_space<hbm>> -> memref<1x64xf32, #tpu.memory_space<hbm>>
      %dma_start3A_133 = tpu.memref_squeeze %dma_start3A_132 : memref<1x64xf32, #tpu.memory_space<hbm>> -> memref<64xf32, #tpu.memory_space<hbm>>
      %dma_start3A_134 = tpu.memref_slice %arg10[%shift_right_arithmetic3A_124, %mul3A_128] : memref<256x128xf32, #tpu.memory_space<vmem>> -> memref<1x64xf32, #tpu.memory_space<vmem>>
      %dma_start3A_135 = tpu.memref_squeeze %dma_start3A_134 : memref<1x64xf32, #tpu.memory_space<vmem>> -> memref<64xf32, #tpu.memory_space<vmem>>
      %dma_start3A_136 = arith.constant 0 : i32
      %dma_start3A_137 = tpu.memref_slice %arg5[%squeeze3A_122, %dma_start3A_136] : memref<1000000x64xf32, #tpu.memory_space<hbm>> -> memref<1x64xf32, #tpu.memory_space<hbm>>
      %dma_start3A_138 = tpu.memref_squeeze %dma_start3A_137 : memref<1x64xf32, #tpu.memory_space<hbm>> -> memref<64xf32, #tpu.memory_space<hbm>>
      tpu.enqueue_dma source(%dma_start3A_138 : memref<64xf32, #tpu.memory_space<hbm>>) target(%dma_start3A_135 : memref<64xf32, #tpu.memory_space<vmem>>) target_semaphore(%arg12 : memref<!tpu.dma_semaphore, #tpu.memory_space<semaphore_mem>>)
      %mul3A_139 = arith.constant 16 : i32
      %mul3A_140 = arith.muli %scan3A_73, %mul3A_139 : i32
      %add3A_141 = arith.constant 3 : i32
      %add3A_142 = arith.addi %mul3A_140, %add3A_141 : i32
      %slice3A_143 = vector.extract_strided_slice %get3A_76 {offsets = [3], sizes = [1], strides = [1]} : vector<16xi32> to vector<1xi32>
      %squeeze3A_144 = vector.extract %slice3A_143[0] : i32 from vector<1xi32>
      %shift_right_arithmetic3A_145 = arith.constant 1 : i32
      %shift_right_arithmetic3A_146 = arith.shrsi %add3A_142, %shift_right_arithmetic3A_145 : i32
      %and3A_147 = arith.constant 1 : i32
      %and3A_148 = arith.andi %add3A_142, %and3A_147 : i32
      %mul3A_149 = arith.constant 64 : i32
      %mul3A_150 = arith.muli %and3A_148, %mul3A_149 : i32
      %dma_start3A_151 = tpu.memref_slice %arg10[%shift_right_arithmetic3A_146, %mul3A_150] : memref<256x128xf32, #tpu.memory_space<vmem>> -> memref<1x64xf32, #tpu.memory_space<vmem>>
      %dma_start3A_152 = tpu.memref_squeeze %dma_start3A_151 : memref<1x64xf32, #tpu.memory_space<vmem>> -> memref<64xf32, #tpu.memory_space<vmem>>
      %dma_start3A_153 = arith.constant 0 : i32
      %dma_start3A_154 = tpu.memref_slice %arg5[%squeeze3A_144, %dma_start3A_153] : memref<1000000x64xf32, #tpu.memory_space<hbm>> -> memref<1x64xf32, #tpu.memory_space<hbm>>
      %dma_start3A_155 = tpu.memref_squeeze %dma_start3A_154 : memref<1x64xf32, #tpu.memory_space<hbm>> -> memref<64xf32, #tpu.memory_space<hbm>>
      %dma_start3A_156 = tpu.memref_slice %arg10[%shift_right_arithmetic3A_146, %mul3A_150] : memref<256x128xf32, #tpu.memory_space<vmem>> -> memref<1x64xf32, #tpu.memory_space<vmem>>
      %dma_start3A_157 = tpu.memref_squeeze %dma_start3A_156 : memref<1x64xf32, #tpu.memory_space<vmem>> -> memref<64xf32, #tpu.memory_space<vmem>>
      %dma_start3A_158 = arith.constant 0 : i32
      %dma_start3A_159 = tpu.memref_slice %arg5[%squeeze3A_144, %dma_start3A_158] : memref<1000000x64xf32, #tpu.memory_space<hbm>> -> memref<1x64xf32, #tpu.memory_space<hbm>>
      %dma_start3A_160 = tpu.memref_squeeze %dma_start3A_159 : memref<1x64xf32, #tpu.memory_space<hbm>> -> memref<64xf32, #tpu.memory_space<hbm>>
      tpu.enqueue_dma source(%dma_start3A_160 : memref<64xf32, #tpu.memory_space<hbm>>) target(%dma_start3A_157 : memref<64xf32, #tpu.memory_space<vmem>>) target_semaphore(%arg12 : memref<!tpu.dma_semaphore, #tpu.memory_space<semaphore_mem>>)
      %mul3A_161 = arith.constant 16 : i32
      %mul3A_162 = arith.muli %scan3A_73, %mul3A_161 : i32
      %add3A_163 = arith.constant 4 : i32
      %add3A_164 = arith.addi %mul3A_162, %add3A_163 : i32
      %slice3A_165 = vector.extract_strided_slice %get3A_76 {offsets = [4], sizes = [1], strides = [1]} : vector<16xi32> to vector<1xi32>
      %squeeze3A_166 = vector.extract %slice3A_165[0] : i32 from vector<1xi32>
      %shift_right_arithmetic3A_167 = arith.constant 1 : i32
      %shift_right_arithmetic3A_168 = arith.shrsi %add3A_164, %shift_right_arithmetic3A_167 : i32
      %and3A_169 = arith.constant 1 : i32
      %and3A_170 = arith.andi %add3A_164, %and3A_169 : i32
      %mul3A_171 = arith.constant 64 : i32
      %mul3A_172 = arith.muli %and3A_170, %mul3A_171 : i32
      %dma_start3A_173 = tpu.memref_slice %arg10[%shift_right_arithmetic3A_168, %mul3A_172] : memref<256x128xf32, #tpu.memory_space<vmem>> -> memref<1x64xf32, #tpu.memory_space<vmem>>
      %dma_start3A_174 = tpu.memref_squeeze %dma_start3A_173 : memref<1x64xf32, #tpu.memory_space<vmem>> -> memref<64xf32, #tpu.memory_space<vmem>>
      %dma_start3A_175 = arith.constant 0 : i32
      %dma_start3A_176 = tpu.memref_slice %arg5[%squeeze3A_166, %dma_start3A_175] : memref<1000000x64xf32, #tpu.memory_space<hbm>> -> memref<1x64xf32, #tpu.memory_space<hbm>>
      %dma_start3A_177 = tpu.memref_squeeze %dma_start3A_176 : memref<1x64xf32, #tpu.memory_space<hbm>> -> memref<64xf32, #tpu.memory_space<hbm>>
      %dma_start3A_178 = tpu.memref_slice %arg10[%shift_right_arithmetic3A_168, %mul3A_172] : memref<256x128xf32, #tpu.memory_space<vmem>> -> memref<1x64xf32, #tpu.memory_space<vmem>>
      %dma_start3A_179 = tpu.memref_squeeze %dma_start3A_178 : memref<1x64xf32, #tpu.memory_space<vmem>> -> memref<64xf32, #tpu.memory_space<vmem>>
      %dma_start3A_180 = arith.constant 0 : i32
      %dma_start3A_181 = tpu.memref_slice %arg5[%squeeze3A_166, %dma_start3A_180] : memref<1000000x64xf32, #tpu.memory_space<hbm>> -> memref<1x64xf32, #tpu.memory_space<hbm>>
      %dma_start3A_182 = tpu.memref_squeeze %dma_start3A_181 : memref<1x64xf32, #tpu.memory_space<hbm>> -> memref<64xf32, #tpu.memory_space<hbm>>
      tpu.enqueue_dma source(%dma_start3A_182 : memref<64xf32, #tpu.memory_space<hbm>>) target(%dma_start3A_179 : memref<64xf32, #tpu.memory_space<vmem>>) target_semaphore(%arg12 : memref<!tpu.dma_semaphore, #tpu.memory_space<semaphore_mem>>)
      %mul3A_183 = arith.constant 16 : i32
      %mul3A_184 = arith.muli %scan3A_73, %mul3A_183 : i32
      %add3A_185 = arith.constant 5 : i32
      %add3A_186 = arith.addi %mul3A_184, %add3A_185 : i32
      %slice3A_187 = vector.extract_strided_slice %get3A_76 {offsets = [5], sizes = [1], strides = [1]} : vector<16xi32> to vector<1xi32>
      %squeeze3A_188 = vector.extract %slice3A_187[0] : i32 from vector<1xi32>
      %shift_right_arithmetic3A_189 = arith.constant 1 : i32
      %shift_right_arithmetic3A_190 = arith.shrsi %add3A_186, %shift_right_arithmetic3A_189 : i32
      %and3A_191 = arith.constant 1 : i32
      %and3A_192 = arith.andi %add3A_186, %and3A_191 : i32
      %mul3A_193 = arith.constant 64 : i32
      %mul3A_194 = arith.muli %and3A_192, %mul3A_193 : i32
      %dma_start3A_195 = tpu.memref_slice %arg10[%shift_right_arithmetic3A_190, %mul3A_194] : memref<256x128xf32, #tpu.memory_space<vmem>> -> memref<1x64xf32, #tpu.memory_space<vmem>>
      %dma_start3A_196 = tpu.memref_squeeze %dma_start3A_195 : memref<1x64xf32, #tpu.memory_space<vmem>> -> memref<64xf32, #tpu.memory_space<vmem>>
      %dma_start3A_197 = arith.constant 0 : i32
      %dma_start3A_198 = tpu.memref_slice %arg5[%squeeze3A_188, %dma_start3A_197] : memref<1000000x64xf32, #tpu.memory_space<hbm>> -> memref<1x64xf32, #tpu.memory_space<hbm>>
      %dma_start3A_199 = tpu.memref_squeeze %dma_start3A_198 : memref<1x64xf32, #tpu.memory_space<hbm>> -> memref<64xf32, #tpu.memory_space<hbm>>
      %dma_start3A_200 = tpu.memref_slice %arg10[%shift_right_arithmetic3A_190, %mul3A_194] : memref<256x128xf32, #tpu.memory_space<vmem>> -> memref<1x64xf32, #tpu.memory_space<vmem>>
      %dma_start3A_201 = tpu.memref_squeeze %dma_start3A_200 : memref<1x64xf32, #tpu.memory_space<vmem>> -> memref<64xf32, #tpu.memory_space<vmem>>
      %dma_start3A_202 = arith.constant 0 : i32
      %dma_start3A_203 = tpu.memref_slice %arg5[%squeeze3A_188, %dma_start3A_202] : memref<1000000x64xf32, #tpu.memory_space<hbm>> -> memref<1x64xf32, #tpu.memory_space<hbm>>
      %dma_start3A_204 = tpu.memref_squeeze %dma_start3A_203 : memref<1x64xf32, #tpu.memory_space<hbm>> -> memref<64xf32, #tpu.memory_space<hbm>>
      tpu.enqueue_dma source(%dma_start3A_204 : memref<64xf32, #tpu.memory_space<hbm>>) target(%dma_start3A_201 : memref<64xf32, #tpu.memory_space<vmem>>) target_semaphore(%arg12 : memref<!tpu.dma_semaphore, #tpu.memory_space<semaphore_mem>>)
      %mul3A_205 = arith.constant 16 : i32
      %mul3A_206 = arith.muli %scan3A_73, %mul3A_205 : i32
      %add3A_207 = arith.constant 6 : i32
      %add3A_208 = arith.addi %mul3A_206, %add3A_207 : i32
      %slice3A_209 = vector.extract_strided_slice %get3A_76 {offsets = [6], sizes = [1], strides = [1]} : vector<16xi32> to vector<1xi32>
      %squeeze3A_210 = vector.extract %slice3A_209[0] : i32 from vector<1xi32>
      %shift_right_arithmetic3A_211 = arith.constant 1 : i32
      %shift_right_arithmetic3A_212 = arith.shrsi %add3A_208, %shift_right_arithmetic3A_211 : i32
      %and3A_213 = arith.constant 1 : i32
      %and3A_214 = arith.andi %add3A_208, %and3A_213 : i32
      %mul3A_215 = arith.constant 64 : i32
      %mul3A_216 = arith.muli %and3A_214, %mul3A_215 : i32
      %dma_start3A_217 = tpu.memref_slice %arg10[%shift_right_arithmetic3A_212, %mul3A_216] : memref<256x128xf32, #tpu.memory_space<vmem>> -> memref<1x64xf32, #tpu.memory_space<vmem>>
      %dma_start3A_218 = tpu.memref_squeeze %dma_start3A_217 : memref<1x64xf32, #tpu.memory_space<vmem>> -> memref<64xf32, #tpu.memory_space<vmem>>
      %dma_start3A_219 = arith.constant 0 : i32
      %dma_start3A_220 = tpu.memref_slice %arg5[%squeeze3A_210, %dma_start3A_219] : memref<1000000x64xf32, #tpu.memory_space<hbm>> -> memref<1x64xf32, #tpu.memory_space<hbm>>
      %dma_start3A_221 = tpu.memref_squeeze %dma_start3A_220 : memref<1x64xf32, #tpu.memory_space<hbm>> -> memref<64xf32, #tpu.memory_space<hbm>>
      %dma_start3A_222 = tpu.memref_slice %arg10[%shift_right_arithmetic3A_212, %mul3A_216] : memref<256x128xf32, #tpu.memory_space<vmem>> -> memref<1x64xf32, #tpu.memory_space<vmem>>
      %dma_start3A_223 = tpu.memref_squeeze %dma_start3A_222 : memref<1x64xf32, #tpu.memory_space<vmem>> -> memref<64xf32, #tpu.memory_space<vmem>>
      %dma_start3A_224 = arith.constant 0 : i32
      %dma_start3A_225 = tpu.memref_slice %arg5[%squeeze3A_210, %dma_start3A_224] : memref<1000000x64xf32, #tpu.memory_space<hbm>> -> memref<1x64xf32, #tpu.memory_space<hbm>>
      %dma_start3A_226 = tpu.memref_squeeze %dma_start3A_225 : memref<1x64xf32, #tpu.memory_space<hbm>> -> memref<64xf32, #tpu.memory_space<hbm>>
      tpu.enqueue_dma source(%dma_start3A_226 : memref<64xf32, #tpu.memory_space<hbm>>) target(%dma_start3A_223 : memref<64xf32, #tpu.memory_space<vmem>>) target_semaphore(%arg12 : memref<!tpu.dma_semaphore, #tpu.memory_space<semaphore_mem>>)
      %mul3A_227 = arith.constant 16 : i32
      %mul3A_228 = arith.muli %scan3A_73, %mul3A_227 : i32
      %add3A_229 = arith.constant 7 : i32
      %add3A_230 = arith.addi %mul3A_228, %add3A_229 : i32
      %slice3A_231 = vector.extract_strided_slice %get3A_76 {offsets = [7], sizes = [1], strides = [1]} : vector<16xi32> to vector<1xi32>
      %squeeze3A_232 = vector.extract %slice3A_231[0] : i32 from vector<1xi32>
      %shift_right_arithmetic3A_233 = arith.constant 1 : i32
      %shift_right_arithmetic3A_234 = arith.shrsi %add3A_230, %shift_right_arithmetic3A_233 : i32
      %and3A_235 = arith.constant 1 : i32
      %and3A_236 = arith.andi %add3A_230, %and3A_235 : i32
      %mul3A_237 = arith.constant 64 : i32
      %mul3A_238 = arith.muli %and3A_236, %mul3A_237 : i32
      %dma_start3A_239 = tpu.memref_slice %arg10[%shift_right_arithmetic3A_234, %mul3A_238] : memref<256x128xf32, #tpu.memory_space<vmem>> -> memref<1x64xf32, #tpu.memory_space<vmem>>
      %dma_start3A_240 = tpu.memref_squeeze %dma_start3A_239 : memref<1x64xf32, #tpu.memory_space<vmem>> -> memref<64xf32, #tpu.memory_space<vmem>>
      %dma_start3A_241 = arith.constant 0 : i32
      %dma_start3A_242 = tpu.memref_slice %arg5[%squeeze3A_232, %dma_start3A_241] : memref<1000000x64xf32, #tpu.memory_space<hbm>> -> memref<1x64xf32, #tpu.memory_space<hbm>>
      %dma_start3A_243 = tpu.memref_squeeze %dma_start3A_242 : memref<1x64xf32, #tpu.memory_space<hbm>> -> memref<64xf32, #tpu.memory_space<hbm>>
      %dma_start3A_244 = tpu.memref_slice %arg10[%shift_right_arithmetic3A_234, %mul3A_238] : memref<256x128xf32, #tpu.memory_space<vmem>> -> memref<1x64xf32, #tpu.memory_space<vmem>>
      %dma_start3A_245 = tpu.memref_squeeze %dma_start3A_244 : memref<1x64xf32, #tpu.memory_space<vmem>> -> memref<64xf32, #tpu.memory_space<vmem>>
      %dma_start3A_246 = arith.constant 0 : i32
      %dma_start3A_247 = tpu.memref_slice %arg5[%squeeze3A_232, %dma_start3A_246] : memref<1000000x64xf32, #tpu.memory_space<hbm>> -> memref<1x64xf32, #tpu.memory_space<hbm>>
      %dma_start3A_248 = tpu.memref_squeeze %dma_start3A_247 : memref<1x64xf32, #tpu.memory_space<hbm>> -> memref<64xf32, #tpu.memory_space<hbm>>
      tpu.enqueue_dma source(%dma_start3A_248 : memref<64xf32, #tpu.memory_space<hbm>>) target(%dma_start3A_245 : memref<64xf32, #tpu.memory_space<vmem>>) target_semaphore(%arg12 : memref<!tpu.dma_semaphore, #tpu.memory_space<semaphore_mem>>)
      %mul3A_249 = arith.constant 16 : i32
      %mul3A_250 = arith.muli %scan3A_73, %mul3A_249 : i32
      %add3A_251 = arith.constant 8 : i32
      %add3A_252 = arith.addi %mul3A_250, %add3A_251 : i32
      %slice3A_253 = vector.extract_strided_slice %get3A_76 {offsets = [8], sizes = [1], strides = [1]} : vector<16xi32> to vector<1xi32>
      %squeeze3A_254 = vector.extract %slice3A_253[0] : i32 from vector<1xi32>
      %shift_right_arithmetic3A_255 = arith.constant 1 : i32
      %shift_right_arithmetic3A_256 = arith.shrsi %add3A_252, %shift_right_arithmetic3A_255 : i32
      %and3A_257 = arith.constant 1 : i32
      %and3A_258 = arith.andi %add3A_252, %and3A_257 : i32
      %mul3A_259 = arith.constant 64 : i32
      %mul3A_260 = arith.muli %and3A_258, %mul3A_259 : i32
      %dma_start3A_261 = tpu.memref_slice %arg10[%shift_right_arithmetic3A_256, %mul3A_260] : memref<256x128xf32, #tpu.memory_space<vmem>> -> memref<1x64xf32, #tpu.memory_space<vmem>>
      %dma_start3A_262 = tpu.memref_squeeze %dma_start3A_261 : memref<1x64xf32, #tpu.memory_space<vmem>> -> memref<64xf32, #tpu.memory_space<vmem>>
      %dma_start3A_263 = arith.constant 0 : i32
      %dma_start3A_264 = tpu.memref_slice %arg5[%squeeze3A_254, %dma_start3A_263] : memref<1000000x64xf32, #tpu.memory_space<hbm>> -> memref<1x64xf32, #tpu.memory_space<hbm>>
      %dma_start3A_265 = tpu.memref_squeeze %dma_start3A_264 : memref<1x64xf32, #tpu.memory_space<hbm>> -> memref<64xf32, #tpu.memory_space<hbm>>
      %dma_start3A_266 = tpu.memref_slice %arg10[%shift_right_arithmetic3A_256, %mul3A_260] : memref<256x128xf32, #tpu.memory_space<vmem>> -> memref<1x64xf32, #tpu.memory_space<vmem>>
      %dma_start3A_267 = tpu.memref_squeeze %dma_start3A_266 : memref<1x64xf32, #tpu.memory_space<vmem>> -> memref<64xf32, #tpu.memory_space<vmem>>
      %dma_start3A_268 = arith.constant 0 : i32
      %dma_start3A_269 = tpu.memref_slice %arg5[%squeeze3A_254, %dma_start3A_268] : memref<1000000x64xf32, #tpu.memory_space<hbm>> -> memref<1x64xf32, #tpu.memory_space<hbm>>
      %dma_start3A_270 = tpu.memref_squeeze %dma_start3A_269 : memref<1x64xf32, #tpu.memory_space<hbm>> -> memref<64xf32, #tpu.memory_space<hbm>>
      tpu.enqueue_dma source(%dma_start3A_270 : memref<64xf32, #tpu.memory_space<hbm>>) target(%dma_start3A_267 : memref<64xf32, #tpu.memory_space<vmem>>) target_semaphore(%arg12 : memref<!tpu.dma_semaphore, #tpu.memory_space<semaphore_mem>>)
      %mul3A_271 = arith.constant 16 : i32
      %mul3A_272 = arith.muli %scan3A_73, %mul3A_271 : i32
      %add3A_273 = arith.constant 9 : i32
      %add3A_274 = arith.addi %mul3A_272, %add3A_273 : i32
      %slice3A_275 = vector.extract_strided_slice %get3A_76 {offsets = [9], sizes = [1], strides = [1]} : vector<16xi32> to vector<1xi32>
      %squeeze3A_276 = vector.extract %slice3A_275[0] : i32 from vector<1xi32>
      %shift_right_arithmetic3A_277 = arith.constant 1 : i32
      %shift_right_arithmetic3A_278 = arith.shrsi %add3A_274, %shift_right_arithmetic3A_277 : i32
      %and3A_279 = arith.constant 1 : i32
      %and3A_280 = arith.andi %add3A_274, %and3A_279 : i32
      %mul3A_281 = arith.constant 64 : i32
      %mul3A_282 = arith.muli %and3A_280, %mul3A_281 : i32
      %dma_start3A_283 = tpu.memref_slice %arg10[%shift_right_arithmetic3A_278, %mul3A_282] : memref<256x128xf32, #tpu.memory_space<vmem>> -> memref<1x64xf32, #tpu.memory_space<vmem>>
      %dma_start3A_284 = tpu.memref_squeeze %dma_start3A_283 : memref<1x64xf32, #tpu.memory_space<vmem>> -> memref<64xf32, #tpu.memory_space<vmem>>
      %dma_start3A_285 = arith.constant 0 : i32
      %dma_start3A_286 = tpu.memref_slice %arg5[%squeeze3A_276, %dma_start3A_285] : memref<1000000x64xf32, #tpu.memory_space<hbm>> -> memref<1x64xf32, #tpu.memory_space<hbm>>
      %dma_start3A_287 = tpu.memref_squeeze %dma_start3A_286 : memref<1x64xf32, #tpu.memory_space<hbm>> -> memref<64xf32, #tpu.memory_space<hbm>>
      %dma_start3A_288 = tpu.memref_slice %arg10[%shift_right_arithmetic3A_278, %mul3A_282] : memref<256x128xf32, #tpu.memory_space<vmem>> -> memref<1x64xf32, #tpu.memory_space<vmem>>
      %dma_start3A_289 = tpu.memref_squeeze %dma_start3A_288 : memref<1x64xf32, #tpu.memory_space<vmem>> -> memref<64xf32, #tpu.memory_space<vmem>>
      %dma_start3A_290 = arith.constant 0 : i32
      %dma_start3A_291 = tpu.memref_slice %arg5[%squeeze3A_276, %dma_start3A_290] : memref<1000000x64xf32, #tpu.memory_space<hbm>> -> memref<1x64xf32, #tpu.memory_space<hbm>>
      %dma_start3A_292 = tpu.memref_squeeze %dma_start3A_291 : memref<1x64xf32, #tpu.memory_space<hbm>> -> memref<64xf32, #tpu.memory_space<hbm>>
      tpu.enqueue_dma source(%dma_start3A_292 : memref<64xf32, #tpu.memory_space<hbm>>) target(%dma_start3A_289 : memref<64xf32, #tpu.memory_space<vmem>>) target_semaphore(%arg12 : memref<!tpu.dma_semaphore, #tpu.memory_space<semaphore_mem>>)
      %mul3A_293 = arith.constant 16 : i32
      %mul3A_294 = arith.muli %scan3A_73, %mul3A_293 : i32
      %add3A_295 = arith.constant 10 : i32
      %add3A_296 = arith.addi %mul3A_294, %add3A_295 : i32
      %slice3A_297 = vector.extract_strided_slice %get3A_76 {offsets = [10], sizes = [1], strides = [1]} : vector<16xi32> to vector<1xi32>
      %squeeze3A_298 = vector.extract %slice3A_297[0] : i32 from vector<1xi32>
      %shift_right_arithmetic3A_299 = arith.constant 1 : i32
      %shift_right_arithmetic3A_300 = arith.shrsi %add3A_296, %shift_right_arithmetic3A_299 : i32
      %and3A_301 = arith.constant 1 : i32
      %and3A_302 = arith.andi %add3A_296, %and3A_301 : i32
      %mul3A_303 = arith.constant 64 : i32
      %mul3A_304 = arith.muli %and3A_302, %mul3A_303 : i32
      %dma_start3A_305 = tpu.memref_slice %arg10[%shift_right_arithmetic3A_300, %mul3A_304] : memref<256x128xf32, #tpu.memory_space<vmem>> -> memref<1x64xf32, #tpu.memory_space<vmem>>
      %dma_start3A_306 = tpu.memref_squeeze %dma_start3A_305 : memref<1x64xf32, #tpu.memory_space<vmem>> -> memref<64xf32, #tpu.memory_space<vmem>>
      %dma_start3A_307 = arith.constant 0 : i32
      %dma_start3A_308 = tpu.memref_slice %arg5[%squeeze3A_298, %dma_start3A_307] : memref<1000000x64xf32, #tpu.memory_space<hbm>> -> memref<1x64xf32, #tpu.memory_space<hbm>>
      %dma_start3A_309 = tpu.memref_squeeze %dma_start3A_308 : memref<1x64xf32, #tpu.memory_space<hbm>> -> memref<64xf32, #tpu.memory_space<hbm>>
      %dma_start3A_310 = tpu.memref_slice %arg10[%shift_right_arithmetic3A_300, %mul3A_304] : memref<256x128xf32, #tpu.memory_space<vmem>> -> memref<1x64xf32, #tpu.memory_space<vmem>>
      %dma_start3A_311 = tpu.memref_squeeze %dma_start3A_310 : memref<1x64xf32, #tpu.memory_space<vmem>> -> memref<64xf32, #tpu.memory_space<vmem>>
      %dma_start3A_312 = arith.constant 0 : i32
      %dma_start3A_313 = tpu.memref_slice %arg5[%squeeze3A_298, %dma_start3A_312] : memref<1000000x64xf32, #tpu.memory_space<hbm>> -> memref<1x64xf32, #tpu.memory_space<hbm>>
      %dma_start3A_314 = tpu.memref_squeeze %dma_start3A_313 : memref<1x64xf32, #tpu.memory_space<hbm>> -> memref<64xf32, #tpu.memory_space<hbm>>
      tpu.enqueue_dma source(%dma_start3A_314 : memref<64xf32, #tpu.memory_space<hbm>>) target(%dma_start3A_311 : memref<64xf32, #tpu.memory_space<vmem>>) target_semaphore(%arg12 : memref<!tpu.dma_semaphore, #tpu.memory_space<semaphore_mem>>)
      %mul3A_315 = arith.constant 16 : i32
      %mul3A_316 = arith.muli %scan3A_73, %mul3A_315 : i32
      %add3A_317 = arith.constant 11 : i32
      %add3A_318 = arith.addi %mul3A_316, %add3A_317 : i32
      %slice3A_319 = vector.extract_strided_slice %get3A_76 {offsets = [11], sizes = [1], strides = [1]} : vector<16xi32> to vector<1xi32>
      %squeeze3A_320 = vector.extract %slice3A_319[0] : i32 from vector<1xi32>
      %shift_right_arithmetic3A_321 = arith.constant 1 : i32
      %shift_right_arithmetic3A_322 = arith.shrsi %add3A_318, %shift_right_arithmetic3A_321 : i32
      %and3A_323 = arith.constant 1 : i32
      %and3A_324 = arith.andi %add3A_318, %and3A_323 : i32
      %mul3A_325 = arith.constant 64 : i32
      %mul3A_326 = arith.muli %and3A_324, %mul3A_325 : i32
      %dma_start3A_327 = tpu.memref_slice %arg10[%shift_right_arithmetic3A_322, %mul3A_326] : memref<256x128xf32, #tpu.memory_space<vmem>> -> memref<1x64xf32, #tpu.memory_space<vmem>>
      %dma_start3A_328 = tpu.memref_squeeze %dma_start3A_327 : memref<1x64xf32, #tpu.memory_space<vmem>> -> memref<64xf32, #tpu.memory_space<vmem>>
      %dma_start3A_329 = arith.constant 0 : i32
      %dma_start3A_330 = tpu.memref_slice %arg5[%squeeze3A_320, %dma_start3A_329] : memref<1000000x64xf32, #tpu.memory_space<hbm>> -> memref<1x64xf32, #tpu.memory_space<hbm>>
      %dma_start3A_331 = tpu.memref_squeeze %dma_start3A_330 : memref<1x64xf32, #tpu.memory_space<hbm>> -> memref<64xf32, #tpu.memory_space<hbm>>
      %dma_start3A_332 = tpu.memref_slice %arg10[%shift_right_arithmetic3A_322, %mul3A_326] : memref<256x128xf32, #tpu.memory_space<vmem>> -> memref<1x64xf32, #tpu.memory_space<vmem>>
      %dma_start3A_333 = tpu.memref_squeeze %dma_start3A_332 : memref<1x64xf32, #tpu.memory_space<vmem>> -> memref<64xf32, #tpu.memory_space<vmem>>
      %dma_start3A_334 = arith.constant 0 : i32
      %dma_start3A_335 = tpu.memref_slice %arg5[%squeeze3A_320, %dma_start3A_334] : memref<1000000x64xf32, #tpu.memory_space<hbm>> -> memref<1x64xf32, #tpu.memory_space<hbm>>
      %dma_start3A_336 = tpu.memref_squeeze %dma_start3A_335 : memref<1x64xf32, #tpu.memory_space<hbm>> -> memref<64xf32, #tpu.memory_space<hbm>>
      tpu.enqueue_dma source(%dma_start3A_336 : memref<64xf32, #tpu.memory_space<hbm>>) target(%dma_start3A_333 : memref<64xf32, #tpu.memory_space<vmem>>) target_semaphore(%arg12 : memref<!tpu.dma_semaphore, #tpu.memory_space<semaphore_mem>>)
      %mul3A_337 = arith.constant 16 : i32
      %mul3A_338 = arith.muli %scan3A_73, %mul3A_337 : i32
      %add3A_339 = arith.constant 12 : i32
      %add3A_340 = arith.addi %mul3A_338, %add3A_339 : i32
      %slice3A_341 = vector.extract_strided_slice %get3A_76 {offsets = [12], sizes = [1], strides = [1]} : vector<16xi32> to vector<1xi32>
      %squeeze3A_342 = vector.extract %slice3A_341[0] : i32 from vector<1xi32>
      %shift_right_arithmetic3A_343 = arith.constant 1 : i32
      %shift_right_arithmetic3A_344 = arith.shrsi %add3A_340, %shift_right_arithmetic3A_343 : i32
      %and3A_345 = arith.constant 1 : i32
      %and3A_346 = arith.andi %add3A_340, %and3A_345 : i32
      %mul3A_347 = arith.constant 64 : i32
      %mul3A_348 = arith.muli %and3A_346, %mul3A_347 : i32
      %dma_start3A_349 = tpu.memref_slice %arg10[%shift_right_arithmetic3A_344, %mul3A_348] : memref<256x128xf32, #tpu.memory_space<vmem>> -> memref<1x64xf32, #tpu.memory_space<vmem>>
      %dma_start3A_350 = tpu.memref_squeeze %dma_start3A_349 : memref<1x64xf32, #tpu.memory_space<vmem>> -> memref<64xf32, #tpu.memory_space<vmem>>
      %dma_start3A_351 = arith.constant 0 : i32
      %dma_start3A_352 = tpu.memref_slice %arg5[%squeeze3A_342, %dma_start3A_351] : memref<1000000x64xf32, #tpu.memory_space<hbm>> -> memref<1x64xf32, #tpu.memory_space<hbm>>
      %dma_start3A_353 = tpu.memref_squeeze %dma_start3A_352 : memref<1x64xf32, #tpu.memory_space<hbm>> -> memref<64xf32, #tpu.memory_space<hbm>>
      %dma_start3A_354 = tpu.memref_slice %arg10[%shift_right_arithmetic3A_344, %mul3A_348] : memref<256x128xf32, #tpu.memory_space<vmem>> -> memref<1x64xf32, #tpu.memory_space<vmem>>
      %dma_start3A_355 = tpu.memref_squeeze %dma_start3A_354 : memref<1x64xf32, #tpu.memory_space<vmem>> -> memref<64xf32, #tpu.memory_space<vmem>>
      %dma_start3A_356 = arith.constant 0 : i32
      %dma_start3A_357 = tpu.memref_slice %arg5[%squeeze3A_342, %dma_start3A_356] : memref<1000000x64xf32, #tpu.memory_space<hbm>> -> memref<1x64xf32, #tpu.memory_space<hbm>>
      %dma_start3A_358 = tpu.memref_squeeze %dma_start3A_357 : memref<1x64xf32, #tpu.memory_space<hbm>> -> memref<64xf32, #tpu.memory_space<hbm>>
      tpu.enqueue_dma source(%dma_start3A_358 : memref<64xf32, #tpu.memory_space<hbm>>) target(%dma_start3A_355 : memref<64xf32, #tpu.memory_space<vmem>>) target_semaphore(%arg12 : memref<!tpu.dma_semaphore, #tpu.memory_space<semaphore_mem>>)
      %mul3A_359 = arith.constant 16 : i32
      %mul3A_360 = arith.muli %scan3A_73, %mul3A_359 : i32
      %add3A_361 = arith.constant 13 : i32
      %add3A_362 = arith.addi %mul3A_360, %add3A_361 : i32
      %slice3A_363 = vector.extract_strided_slice %get3A_76 {offsets = [13], sizes = [1], strides = [1]} : vector<16xi32> to vector<1xi32>
      %squeeze3A_364 = vector.extract %slice3A_363[0] : i32 from vector<1xi32>
      %shift_right_arithmetic3A_365 = arith.constant 1 : i32
      %shift_right_arithmetic3A_366 = arith.shrsi %add3A_362, %shift_right_arithmetic3A_365 : i32
      %and3A_367 = arith.constant 1 : i32
      %and3A_368 = arith.andi %add3A_362, %and3A_367 : i32
      %mul3A_369 = arith.constant 64 : i32
      %mul3A_370 = arith.muli %and3A_368, %mul3A_369 : i32
      %dma_start3A_371 = tpu.memref_slice %arg10[%shift_right_arithmetic3A_366, %mul3A_370] : memref<256x128xf32, #tpu.memory_space<vmem>> -> memref<1x64xf32, #tpu.memory_space<vmem>>
      %dma_start3A_372 = tpu.memref_squeeze %dma_start3A_371 : memref<1x64xf32, #tpu.memory_space<vmem>> -> memref<64xf32, #tpu.memory_space<vmem>>
      %dma_start3A_373 = arith.constant 0 : i32
      %dma_start3A_374 = tpu.memref_slice %arg5[%squeeze3A_364, %dma_start3A_373] : memref<1000000x64xf32, #tpu.memory_space<hbm>> -> memref<1x64xf32, #tpu.memory_space<hbm>>
      %dma_start3A_375 = tpu.memref_squeeze %dma_start3A_374 : memref<1x64xf32, #tpu.memory_space<hbm>> -> memref<64xf32, #tpu.memory_space<hbm>>
      %dma_start3A_376 = tpu.memref_slice %arg10[%shift_right_arithmetic3A_366, %mul3A_370] : memref<256x128xf32, #tpu.memory_space<vmem>> -> memref<1x64xf32, #tpu.memory_space<vmem>>
      %dma_start3A_377 = tpu.memref_squeeze %dma_start3A_376 : memref<1x64xf32, #tpu.memory_space<vmem>> -> memref<64xf32, #tpu.memory_space<vmem>>
      %dma_start3A_378 = arith.constant 0 : i32
      %dma_start3A_379 = tpu.memref_slice %arg5[%squeeze3A_364, %dma_start3A_378] : memref<1000000x64xf32, #tpu.memory_space<hbm>> -> memref<1x64xf32, #tpu.memory_space<hbm>>
      %dma_start3A_380 = tpu.memref_squeeze %dma_start3A_379 : memref<1x64xf32, #tpu.memory_space<hbm>> -> memref<64xf32, #tpu.memory_space<hbm>>
      tpu.enqueue_dma source(%dma_start3A_380 : memref<64xf32, #tpu.memory_space<hbm>>) target(%dma_start3A_377 : memref<64xf32, #tpu.memory_space<vmem>>) target_semaphore(%arg12 : memref<!tpu.dma_semaphore, #tpu.memory_space<semaphore_mem>>)
      %mul3A_381 = arith.constant 16 : i32
      %mul3A_382 = arith.muli %scan3A_73, %mul3A_381 : i32
      %add3A_383 = arith.constant 14 : i32
      %add3A_384 = arith.addi %mul3A_382, %add3A_383 : i32
      %slice3A_385 = vector.extract_strided_slice %get3A_76 {offsets = [14], sizes = [1], strides = [1]} : vector<16xi32> to vector<1xi32>
      %squeeze3A_386 = vector.extract %slice3A_385[0] : i32 from vector<1xi32>
      %shift_right_arithmetic3A_387 = arith.constant 1 : i32
      %shift_right_arithmetic3A_388 = arith.shrsi %add3A_384, %shift_right_arithmetic3A_387 : i32
      %and3A_389 = arith.constant 1 : i32
      %and3A_390 = arith.andi %add3A_384, %and3A_389 : i32
      %mul3A_391 = arith.constant 64 : i32
      %mul3A_392 = arith.muli %and3A_390, %mul3A_391 : i32
      %dma_start3A_393 = tpu.memref_slice %arg10[%shift_right_arithmetic3A_388, %mul3A_392] : memref<256x128xf32, #tpu.memory_space<vmem>> -> memref<1x64xf32, #tpu.memory_space<vmem>>
      %dma_start3A_394 = tpu.memref_squeeze %dma_start3A_393 : memref<1x64xf32, #tpu.memory_space<vmem>> -> memref<64xf32, #tpu.memory_space<vmem>>
      %dma_start3A_395 = arith.constant 0 : i32
      %dma_start3A_396 = tpu.memref_slice %arg5[%squeeze3A_386, %dma_start3A_395] : memref<1000000x64xf32, #tpu.memory_space<hbm>> -> memref<1x64xf32, #tpu.memory_space<hbm>>
      %dma_start3A_397 = tpu.memref_squeeze %dma_start3A_396 : memref<1x64xf32, #tpu.memory_space<hbm>> -> memref<64xf32, #tpu.memory_space<hbm>>
      %dma_start3A_398 = tpu.memref_slice %arg10[%shift_right_arithmetic3A_388, %mul3A_392] : memref<256x128xf32, #tpu.memory_space<vmem>> -> memref<1x64xf32, #tpu.memory_space<vmem>>
      %dma_start3A_399 = tpu.memref_squeeze %dma_start3A_398 : memref<1x64xf32, #tpu.memory_space<vmem>> -> memref<64xf32, #tpu.memory_space<vmem>>
      %dma_start3A_400 = arith.constant 0 : i32
      %dma_start3A_401 = tpu.memref_slice %arg5[%squeeze3A_386, %dma_start3A_400] : memref<1000000x64xf32, #tpu.memory_space<hbm>> -> memref<1x64xf32, #tpu.memory_space<hbm>>
      %dma_start3A_402 = tpu.memref_squeeze %dma_start3A_401 : memref<1x64xf32, #tpu.memory_space<hbm>> -> memref<64xf32, #tpu.memory_space<hbm>>
      tpu.enqueue_dma source(%dma_start3A_402 : memref<64xf32, #tpu.memory_space<hbm>>) target(%dma_start3A_399 : memref<64xf32, #tpu.memory_space<vmem>>) target_semaphore(%arg12 : memref<!tpu.dma_semaphore, #tpu.memory_space<semaphore_mem>>)
      %mul3A_403 = arith.constant 16 : i32
      %mul3A_404 = arith.muli %scan3A_73, %mul3A_403 : i32
      %add3A_405 = arith.constant 15 : i32
      %add3A_406 = arith.addi %mul3A_404, %add3A_405 : i32
      %slice3A_407 = vector.extract_strided_slice %get3A_76 {offsets = [15], sizes = [1], strides = [1]} : vector<16xi32> to vector<1xi32>
      %squeeze3A_408 = vector.extract %slice3A_407[0] : i32 from vector<1xi32>
      %shift_right_arithmetic3A_409 = arith.constant 1 : i32
      %shift_right_arithmetic3A_410 = arith.shrsi %add3A_406, %shift_right_arithmetic3A_409 : i32
      %and3A_411 = arith.constant 1 : i32
      %and3A_412 = arith.andi %add3A_406, %and3A_411 : i32
      %mul3A_413 = arith.constant 64 : i32
      %mul3A_414 = arith.muli %and3A_412, %mul3A_413 : i32
      %dma_start3A_415 = tpu.memref_slice %arg10[%shift_right_arithmetic3A_410, %mul3A_414] : memref<256x128xf32, #tpu.memory_space<vmem>> -> memref<1x64xf32, #tpu.memory_space<vmem>>
      %dma_start3A_416 = tpu.memref_squeeze %dma_start3A_415 : memref<1x64xf32, #tpu.memory_space<vmem>> -> memref<64xf32, #tpu.memory_space<vmem>>
      %dma_start3A_417 = arith.constant 0 : i32
      %dma_start3A_418 = tpu.memref_slice %arg5[%squeeze3A_408, %dma_start3A_417] : memref<1000000x64xf32, #tpu.memory_space<hbm>> -> memref<1x64xf32, #tpu.memory_space<hbm>>
      %dma_start3A_419 = tpu.memref_squeeze %dma_start3A_418 : memref<1x64xf32, #tpu.memory_space<hbm>> -> memref<64xf32, #tpu.memory_space<hbm>>
      %dma_start3A_420 = tpu.memref_slice %arg10[%shift_right_arithmetic3A_410, %mul3A_414] : memref<256x128xf32, #tpu.memory_space<vmem>> -> memref<1x64xf32, #tpu.memory_space<vmem>>
      %dma_start3A_421 = tpu.memref_squeeze %dma_start3A_420 : memref<1x64xf32, #tpu.memory_space<vmem>> -> memref<64xf32, #tpu.memory_space<vmem>>
      %dma_start3A_422 = arith.constant 0 : i32
      %dma_start3A_423 = tpu.memref_slice %arg5[%squeeze3A_408, %dma_start3A_422] : memref<1000000x64xf32, #tpu.memory_space<hbm>> -> memref<1x64xf32, #tpu.memory_space<hbm>>
      %dma_start3A_424 = tpu.memref_squeeze %dma_start3A_423 : memref<1x64xf32, #tpu.memory_space<hbm>> -> memref<64xf32, #tpu.memory_space<hbm>>
      tpu.enqueue_dma source(%dma_start3A_424 : memref<64xf32, #tpu.memory_space<hbm>>) target(%dma_start3A_421 : memref<64xf32, #tpu.memory_space<vmem>>) target_semaphore(%arg12 : memref<!tpu.dma_semaphore, #tpu.memory_space<semaphore_mem>>)
    }
    %scan3A_15 = arith.constant 32 : i32
    %dma_wait3A = arith.constant 0 : i32
    %dma_wait3A_16 = arith.constant 0 : i32
    %dma_wait3A_17 = arith.constant 0 : i32
    %dma_wait3A_18 = tpu.memref_slice %arg6[%dma_wait3A, %dma_wait3A_16, %dma_wait3A_17] : memref<2x8192x128xf32, #tpu.memory_space<hbm>> -> memref<1x256x128xf32, #tpu.memory_space<hbm>>
    %dma_wait3A_19 = tpu.memref_squeeze %dma_wait3A_18 : memref<1x256x128xf32, #tpu.memory_space<hbm>> -> memref<256x128xf32, #tpu.memory_space<hbm>>
    %dma_wait3A_20 = arith.constant 0 : i32
    %dma_wait3A_21 = arith.constant 0 : i32
    %dma_wait3A_22 = tpu.memref_slice %arg6[%dma_wait3A, %dma_wait3A_20, %dma_wait3A_21] : memref<2x8192x128xf32, #tpu.memory_space<hbm>> -> memref<1x256x128xf32, #tpu.memory_space<hbm>>
    %dma_wait3A_23 = tpu.memref_squeeze %dma_wait3A_22 : memref<1x256x128xf32, #tpu.memory_space<hbm>> -> memref<256x128xf32, #tpu.memory_space<hbm>>
    tpu.wait_dma2 semaphore(%arg11 : memref<!tpu.dma_semaphore, #tpu.memory_space<semaphore_mem>>) src(%dma_wait3A_23 : memref<256x128xf32, #tpu.memory_space<hbm>>) dst(%arg9 : memref<256x128xf32, #tpu.memory_space<vmem>>)
    %iota3A = tpu.iota {dimensions = array<i32: 0>} : vector<16xi32>
    %scan3A_24 = arith.constant 0 : i32
    %scan3A_25 = arith.constant 0 : i32
    %scan3A_26 = arith.constant 32 : i32
    %scan3A_27 = arith.addi %scan3A_25, %scan3A_26 : i32
    %scan3A_28 = arith.constant 1 : i32
    scf.for %scan3A_73 = %scan3A_25 to %scan3A_27 step %scan3A_28  : i32 {
      %mul3A_74 = arith.constant 16 : i32
      %mul3A_75 = arith.muli %scan3A_73, %mul3A_74 : i32
      %add3A_76 = vector.broadcast %mul3A_75 : i32 to vector<16xi32>
      %add3A_77 = arith.addi %add3A_76, %iota3A : vector<16xi32>
      %shift_right_logical3A = arith.constant 1 : i32
      %shift_right_logical3A_78 = vector.broadcast %shift_right_logical3A : i32 to vector<16xi32>
      %shift_right_logical3A_79 = arith.shrui %add3A_77, %shift_right_logical3A_78 : vector<16xi32>
      %and3A = arith.constant 1 : i32
      %and3A_80 = vector.broadcast %and3A : i32 to vector<16xi32>
      %and3A_81 = arith.andi %add3A_77, %and3A_80 : vector<16xi32>
      %shift_left3A = arith.constant 6 : i32
      %shift_left3A_82 = vector.broadcast %shift_left3A : i32 to vector<16xi32>
      %shift_left3A_83 = arith.shli %and3A_81, %shift_left3A_82 : vector<16xi32>
      %broadcast_in_dim3A = arith.constant 0.000000e+00 : f32
      %broadcast_in_dim3A_84 = vector.broadcast %broadcast_in_dim3A : f32 to vector<16xf32>
      %scan3A_85 = arith.constant 0 : i32
      %scan3A_86 = arith.constant 64 : i32
      %scan3A_87 = arith.addi %scan3A_85, %scan3A_86 : i32
      %scan3A_88 = arith.constant 8 : i32
      %scan3A_89 = scf.for %scan3A_124 = %scan3A_85 to %scan3A_87 step %scan3A_88 iter_args(%scan3A_125 = %broadcast_in_dim3A_84) -> (vector<16xf32>)  : i32 {
        %add3A_126 = vector.broadcast %scan3A_124 : i32 to vector<16xi32>
        %add3A_127 = arith.addi %shift_left3A_83, %add3A_126 : vector<16xi32>
        %gather3A = tpu.vector_load_idx %arg9[%shift_right_logical3A_79, %add3A_127] : memref<256x128xf32, #tpu.memory_space<vmem>>[vector<16xi32>, vector<16xi32>], vector<16xf32>,
        %mul3A_128 = arith.mulf %gather3A, %gather3A : vector<16xf32>
        %add3A_129 = arith.addf %scan3A_125, %mul3A_128 : vector<16xf32>
        %scan3A_130 = arith.constant 1 : i32
        %scan3A_131 = arith.addi %scan3A_124, %scan3A_130 : i32
        %add3A_132 = vector.broadcast %scan3A_131 : i32 to vector<16xi32>
        %add3A_133 = arith.addi %shift_left3A_83, %add3A_132 : vector<16xi32>
        %gather3A_134 = tpu.vector_load_idx %arg9[%shift_right_logical3A_79, %add3A_133] : memref<256x128xf32, #tpu.memory_space<vmem>>[vector<16xi32>, vector<16xi32>], vector<16xf32>,
        %mul3A_135 = arith.mulf %gather3A_134, %gather3A_134 : vector<16xf32>
        %add3A_136 = arith.addf %add3A_129, %mul3A_135 : vector<16xf32>
        %scan3A_137 = arith.constant 2 : i32
        %scan3A_138 = arith.addi %scan3A_124, %scan3A_137 : i32
        %add3A_139 = vector.broadcast %scan3A_138 : i32 to vector<16xi32>
        %add3A_140 = arith.addi %shift_left3A_83, %add3A_139 : vector<16xi32>
        %gather3A_141 = tpu.vector_load_idx %arg9[%shift_right_logical3A_79, %add3A_140] : memref<256x128xf32, #tpu.memory_space<vmem>>[vector<16xi32>, vector<16xi32>], vector<16xf32>,
        %mul3A_142 = arith.mulf %gather3A_141, %gather3A_141 : vector<16xf32>
        %add3A_143 = arith.addf %add3A_136, %mul3A_142 : vector<16xf32>
        %scan3A_144 = arith.constant 3 : i32
        %scan3A_145 = arith.addi %scan3A_124, %scan3A_144 : i32
        %add3A_146 = vector.broadcast %scan3A_145 : i32 to vector<16xi32>
        %add3A_147 = arith.addi %shift_left3A_83, %add3A_146 : vector<16xi32>
        %gather3A_148 = tpu.vector_load_idx %arg9[%shift_right_logical3A_79, %add3A_147] : memref<256x128xf32, #tpu.memory_space<vmem>>[vector<16xi32>, vector<16xi32>], vector<16xf32>,
        %mul3A_149 = arith.mulf %gather3A_148, %gather3A_148 : vector<16xf32>
        %add3A_150 = arith.addf %add3A_143, %mul3A_149 : vector<16xf32>
        %scan3A_151 = arith.constant 4 : i32
        %scan3A_152 = arith.addi %scan3A_124, %scan3A_151 : i32
        %add3A_153 = vector.broadcast %scan3A_152 : i32 to vector<16xi32>
        %add3A_154 = arith.addi %shift_left3A_83, %add3A_153 : vector<16xi32>
        %gather3A_155 = tpu.vector_load_idx %arg9[%shift_right_logical3A_79, %add3A_154] : memref<256x128xf32, #tpu.memory_space<vmem>>[vector<16xi32>, vector<16xi32>], vector<16xf32>,
        %mul3A_156 = arith.mulf %gather3A_155, %gather3A_155 : vector<16xf32>
        %add3A_157 = arith.addf %add3A_150, %mul3A_156 : vector<16xf32>
        %scan3A_158 = arith.constant 5 : i32
        %scan3A_159 = arith.addi %scan3A_124, %scan3A_158 : i32
        %add3A_160 = vector.broadcast %scan3A_159 : i32 to vector<16xi32>
        %add3A_161 = arith.addi %shift_left3A_83, %add3A_160 : vector<16xi32>
        %gather3A_162 = tpu.vector_load_idx %arg9[%shift_right_logical3A_79, %add3A_161] : memref<256x128xf32, #tpu.memory_space<vmem>>[vector<16xi32>, vector<16xi32>], vector<16xf32>,
        %mul3A_163 = arith.mulf %gather3A_162, %gather3A_162 : vector<16xf32>
        %add3A_164 = arith.addf %add3A_157, %mul3A_163 : vector<16xf32>
        %scan3A_165 = arith.constant 6 : i32
        %scan3A_166 = arith.addi %scan3A_124, %scan3A_165 : i32
        %add3A_167 = vector.broadcast %scan3A_166 : i32 to vector<16xi32>
        %add3A_168 = arith.addi %shift_left3A_83, %add3A_167 : vector<16xi32>
        %gather3A_169 = tpu.vector_load_idx %arg9[%shift_right_logical3A_79, %add3A_168] : memref<256x128xf32, #tpu.memory_space<vmem>>[vector<16xi32>, vector<16xi32>], vector<16xf32>,
        %mul3A_170 = arith.mulf %gather3A_169, %gather3A_169 : vector<16xf32>
        %add3A_171 = arith.addf %add3A_164, %mul3A_170 : vector<16xf32>
        %scan3A_172 = arith.constant 7 : i32
        %scan3A_173 = arith.addi %scan3A_124, %scan3A_172 : i32
        %add3A_174 = vector.broadcast %scan3A_173 : i32 to vector<16xi32>
        %add3A_175 = arith.addi %shift_left3A_83, %add3A_174 : vector<16xi32>
        %gather3A_176 = tpu.vector_load_idx %arg9[%shift_right_logical3A_79, %add3A_175] : memref<256x128xf32, #tpu.memory_space<vmem>>[vector<16xi32>, vector<16xi32>], vector<16xf32>,
        %mul3A_177 = arith.mulf %gather3A_176, %gather3A_176 : vector<16xf32>
        %add3A_178 = arith.addf %add3A_171, %mul3A_177 : vector<16xf32>
        scf.yield %add3A_178 : vector<16xf32>
      }
      %scan3A_90 = arith.constant 64 : i32
      %bitcast_convert_type3A = tpu.bitcast %scan3A_89 : vector<16xf32> -> vector<16xi32>
      %shift_right_logical3A_91 = arith.constant 1 : i32
      %shift_right_logical3A_92 = vector.broadcast %shift_right_logical3A_91 : i32 to vector<16xi32>
      %shift_right_logical3A_93 = arith.shrui %bitcast_convert_type3A, %shift_right_logical3A_92 : vector<16xi32>
      %sub3A = arith.constant 1597463007 : i32
      %sub3A_94 = vector.broadcast %sub3A : i32 to vector<16xi32>
      %sub3A_95 = arith.subi %sub3A_94, %shift_right_logical3A_93 : vector<16xi32>
      %bitcast_convert_type3A_96 = tpu.bitcast %sub3A_95 : vector<16xi32> -> vector<16xf32>
      %mul3A_97 = arith.constant 5.000000e-01 : f32
      %mul3A_98 = vector.broadcast %mul3A_97 : f32 to vector<16xf32>
      %mul3A_99 = arith.mulf %scan3A_89, %mul3A_98 : vector<16xf32>
      %mul3A_100 = arith.mulf %mul3A_99, %bitcast_convert_type3A_96 : vector<16xf32>
      %mul3A_101 = arith.mulf %mul3A_100, %bitcast_convert_type3A_96 : vector<16xf32>
      %sub3A_102 = arith.constant 1.500000e+00 : f32
      %sub3A_103 = vector.broadcast %sub3A_102 : f32 to vector<16xf32>
      %sub3A_104 = arith.subf %sub3A_103, %mul3A_101 : vector<16xf32>
      %mul3A_105 = arith.mulf %bitcast_convert_type3A_96, %sub3A_104 : vector<16xf32>
      %mul3A_106 = arith.mulf %mul3A_99, %mul3A_105 : vector<16xf32>
      %mul3A_107 = arith.mulf %mul3A_106, %mul3A_105 : vector<16xf32>
      %sub3A_108 = arith.constant 1.500000e+00 : f32
      %sub3A_109 = vector.broadcast %sub3A_108 : f32 to vector<16xf32>
      %sub3A_110 = arith.subf %sub3A_109, %mul3A_107 : vector<16xf32>
      %mul3A_111 = arith.mulf %mul3A_105, %sub3A_110 : vector<16xf32>
      %mul3A_112 = arith.mulf %mul3A_99, %mul3A_111 : vector<16xf32>
      %mul3A_113 = arith.mulf %mul3A_112, %mul3A_111 : vector<16xf32>
      %sub3A_114 = arith.constant 1.500000e+00 : f32
      %sub3A_115 = vector.broadcast %sub3A_114 : f32 to vector<16xf32>
      %sub3A_116 = arith.subf %sub3A_115, %mul3A_113 : vector<16xf32>
      %mul3A_117 = arith.mulf %mul3A_111, %sub3A_116 : vector<16xf32>
      %scan3A_118 = arith.constant 0 : i32
      %scan3A_119 = arith.constant 0 : i32
      %scan3A_120 = arith.constant 64 : i32
      %scan3A_121 = arith.addi %scan3A_119, %scan3A_120 : i32
      %scan3A_122 = arith.constant 8 : i32
      scf.for %scan3A_124 = %scan3A_119 to %scan3A_121 step %scan3A_122  : i32 {
        %add3A_125 = vector.broadcast %scan3A_124 : i32 to vector<16xi32>
        %add3A_126 = arith.addi %shift_left3A_83, %add3A_125 : vector<16xi32>
        %gather3A = tpu.vector_load_idx %arg9[%shift_right_logical3A_79, %add3A_126] : memref<256x128xf32, #tpu.memory_space<vmem>>[vector<16xi32>, vector<16xi32>], vector<16xf32>,
        %add3A_127 = vector.broadcast %scan3A_124 : i32 to vector<16xi32>
        %add3A_128 = arith.addi %shift_left3A_83, %add3A_127 : vector<16xi32>
        %mul3A_129 = arith.mulf %gather3A, %mul3A_117 : vector<16xf32>
        tpu.vector_store_idx %arg9[%shift_right_logical3A_79, %add3A_128], %mul3A_129 : memref<256x128xf32, #tpu.memory_space<vmem>>[vector<16xi32>, vector<16xi32>], vector<16xf32>,
        %scan3A_130 = arith.constant 1 : i32
        %scan3A_131 = arith.addi %scan3A_124, %scan3A_130 : i32
        %add3A_132 = vector.broadcast %scan3A_131 : i32 to vector<16xi32>
        %add3A_133 = arith.addi %shift_left3A_83, %add3A_132 : vector<16xi32>
        %gather3A_134 = tpu.vector_load_idx %arg9[%shift_right_logical3A_79, %add3A_133] : memref<256x128xf32, #tpu.memory_space<vmem>>[vector<16xi32>, vector<16xi32>], vector<16xf32>,
        %add3A_135 = vector.broadcast %scan3A_131 : i32 to vector<16xi32>
        %add3A_136 = arith.addi %shift_left3A_83, %add3A_135 : vector<16xi32>
        %mul3A_137 = arith.mulf %gather3A_134, %mul3A_117 : vector<16xf32>
        tpu.vector_store_idx %arg9[%shift_right_logical3A_79, %add3A_136], %mul3A_137 : memref<256x128xf32, #tpu.memory_space<vmem>>[vector<16xi32>, vector<16xi32>], vector<16xf32>,
        %scan3A_138 = arith.constant 2 : i32
        %scan3A_139 = arith.addi %scan3A_124, %scan3A_138 : i32
        %add3A_140 = vector.broadcast %scan3A_139 : i32 to vector<16xi32>
        %add3A_141 = arith.addi %shift_left3A_83, %add3A_140 : vector<16xi32>
        %gather3A_142 = tpu.vector_load_idx %arg9[%shift_right_logical3A_79, %add3A_141] : memref<256x128xf32, #tpu.memory_space<vmem>>[vector<16xi32>, vector<16xi32>], vector<16xf32>,
        %add3A_143 = vector.broadcast %scan3A_139 : i32 to vector<16xi32>
        %add3A_144 = arith.addi %shift_left3A_83, %add3A_143 : vector<16xi32>
        %mul3A_145 = arith.mulf %gather3A_142, %mul3A_117 : vector<16xf32>
        tpu.vector_store_idx %arg9[%shift_right_logical3A_79, %add3A_144], %mul3A_145 : memref<256x128xf32, #tpu.memory_space<vmem>>[vector<16xi32>, vector<16xi32>], vector<16xf32>,
        %scan3A_146 = arith.constant 3 : i32
        %scan3A_147 = arith.addi %scan3A_124, %scan3A_146 : i32
        %add3A_148 = vector.broadcast %scan3A_147 : i32 to vector<16xi32>
        %add3A_149 = arith.addi %shift_left3A_83, %add3A_148 : vector<16xi32>
        %gather3A_150 = tpu.vector_load_idx %arg9[%shift_right_logical3A_79, %add3A_149] : memref<256x128xf32, #tpu.memory_space<vmem>>[vector<16xi32>, vector<16xi32>], vector<16xf32>,
        %add3A_151 = vector.broadcast %scan3A_147 : i32 to vector<16xi32>
        %add3A_152 = arith.addi %shift_left3A_83, %add3A_151 : vector<16xi32>
        %mul3A_153 = arith.mulf %gather3A_150, %mul3A_117 : vector<16xf32>
        tpu.vector_store_idx %arg9[%shift_right_logical3A_79, %add3A_152], %mul3A_153 : memref<256x128xf32, #tpu.memory_space<vmem>>[vector<16xi32>, vector<16xi32>], vector<16xf32>,
        %scan3A_154 = arith.constant 4 : i32
        %scan3A_155 = arith.addi %scan3A_124, %scan3A_154 : i32
        %add3A_156 = vector.broadcast %scan3A_155 : i32 to vector<16xi32>
        %add3A_157 = arith.addi %shift_left3A_83, %add3A_156 : vector<16xi32>
        %gather3A_158 = tpu.vector_load_idx %arg9[%shift_right_logical3A_79, %add3A_157] : memref<256x128xf32, #tpu.memory_space<vmem>>[vector<16xi32>, vector<16xi32>], vector<16xf32>,
        %add3A_159 = vector.broadcast %scan3A_155 : i32 to vector<16xi32>
        %add3A_160 = arith.addi %shift_left3A_83, %add3A_159 : vector<16xi32>
        %mul3A_161 = arith.mulf %gather3A_158, %mul3A_117 : vector<16xf32>
        tpu.vector_store_idx %arg9[%shift_right_logical3A_79, %add3A_160], %mul3A_161 : memref<256x128xf32, #tpu.memory_space<vmem>>[vector<16xi32>, vector<16xi32>], vector<16xf32>,
        %scan3A_162 = arith.constant 5 : i32
        %scan3A_163 = arith.addi %scan3A_124, %scan3A_162 : i32
        %add3A_164 = vector.broadcast %scan3A_163 : i32 to vector<16xi32>
        %add3A_165 = arith.addi %shift_left3A_83, %add3A_164 : vector<16xi32>
        %gather3A_166 = tpu.vector_load_idx %arg9[%shift_right_logical3A_79, %add3A_165] : memref<256x128xf32, #tpu.memory_space<vmem>>[vector<16xi32>, vector<16xi32>], vector<16xf32>,
        %add3A_167 = vector.broadcast %scan3A_163 : i32 to vector<16xi32>
        %add3A_168 = arith.addi %shift_left3A_83, %add3A_167 : vector<16xi32>
        %mul3A_169 = arith.mulf %gather3A_166, %mul3A_117 : vector<16xf32>
        tpu.vector_store_idx %arg9[%shift_right_logical3A_79, %add3A_168], %mul3A_169 : memref<256x128xf32, #tpu.memory_space<vmem>>[vector<16xi32>, vector<16xi32>], vector<16xf32>,
        %scan3A_170 = arith.constant 6 : i32
        %scan3A_171 = arith.addi %scan3A_124, %scan3A_170 : i32
        %add3A_172 = vector.broadcast %scan3A_171 : i32 to vector<16xi32>
        %add3A_173 = arith.addi %shift_left3A_83, %add3A_172 : vector<16xi32>
        %gather3A_174 = tpu.vector_load_idx %arg9[%shift_right_logical3A_79, %add3A_173] : memref<256x128xf32, #tpu.memory_space<vmem>>[vector<16xi32>, vector<16xi32>], vector<16xf32>,
        %add3A_175 = vector.broadcast %scan3A_171 : i32 to vector<16xi32>
        %add3A_176 = arith.addi %shift_left3A_83, %add3A_175 : vector<16xi32>
        %mul3A_177 = arith.mulf %gather3A_174, %mul3A_117 : vector<16xf32>
        tpu.vector_store_idx %arg9[%shift_right_logical3A_79, %add3A_176], %mul3A_177 : memref<256x128xf32, #tpu.memory_space<vmem>>[vector<16xi32>, vector<16xi32>], vector<16xf32>,
        %scan3A_178 = arith.constant 7 : i32
        %scan3A_179 = arith.addi %scan3A_124, %scan3A_178 : i32
        %add3A_180 = vector.broadcast %scan3A_179 : i32 to vector<16xi32>
        %add3A_181 = arith.addi %shift_left3A_83, %add3A_180 : vector<16xi32>
        %gather3A_182 = tpu.vector_load_idx %arg9[%shift_right_logical3A_79, %add3A_181] : memref<256x128xf32, #tpu.memory_space<vmem>>[vector<16xi32>, vector<16xi32>], vector<16xf32>,
        %add3A_183 = vector.broadcast %scan3A_179 : i32 to vector<16xi32>
        %add3A_184 = arith.addi %shift_left3A_83, %add3A_183 : vector<16xi32>
        %mul3A_185 = arith.mulf %gather3A_182, %mul3A_117 : vector<16xf32>
        tpu.vector_store_idx %arg9[%shift_right_logical3A_79, %add3A_184], %mul3A_185 : memref<256x128xf32, #tpu.memory_space<vmem>>[vector<16xi32>, vector<16xi32>], vector<16xf32>,
      }
      %scan3A_123 = arith.constant 64 : i32
    }
    %scan3A_29 = arith.constant 32 : i32
    %dma_start3A = arith.constant 0 : i32
    %dma_start3A_30 = arith.constant 0 : i32
    %dma_start3A_31 = tpu.memref_slice %arg6[%dma_start3A, %mul3A_4, %dma_start3A_30] : memref<2x8192x128xf32, #tpu.memory_space<hbm>> -> memref<1x256x128xf32, #tpu.memory_space<hbm>>
    %dma_start3A_32 = tpu.memref_squeeze %dma_start3A_31 : memref<1x256x128xf32, #tpu.memory_space<hbm>> -> memref<256x128xf32, #tpu.memory_space<hbm>>
    %dma_start3A_33 = arith.constant 0 : i32
    %dma_start3A_34 = tpu.memref_slice %arg6[%dma_start3A, %mul3A_4, %dma_start3A_33] : memref<2x8192x128xf32, #tpu.memory_space<hbm>> -> memref<1x256x128xf32, #tpu.memory_space<hbm>>
    %dma_start3A_35 = tpu.memref_squeeze %dma_start3A_34 : memref<1x256x128xf32, #tpu.memory_space<hbm>> -> memref<256x128xf32, #tpu.memory_space<hbm>>
    tpu.enqueue_dma source(%arg9 : memref<256x128xf32, #tpu.memory_space<vmem>>) target(%dma_start3A_35 : memref<256x128xf32, #tpu.memory_space<hbm>>) target_semaphore(%arg13 : memref<!tpu.dma_semaphore, #tpu.memory_space<semaphore_mem>>)
    %dma_wait3A_36 = arith.constant 1 : i32
    %dma_wait3A_37 = arith.constant 0 : i32
    %dma_wait3A_38 = arith.constant 0 : i32
    %dma_wait3A_39 = tpu.memref_slice %arg6[%dma_wait3A_36, %dma_wait3A_37, %dma_wait3A_38] : memref<2x8192x128xf32, #tpu.memory_space<hbm>> -> memref<1x256x128xf32, #tpu.memory_space<hbm>>
    %dma_wait3A_40 = tpu.memref_squeeze %dma_wait3A_39 : memref<1x256x128xf32, #tpu.memory_space<hbm>> -> memref<256x128xf32, #tpu.memory_space<hbm>>
    %dma_wait3A_41 = arith.constant 0 : i32
    %dma_wait3A_42 = arith.constant 0 : i32
    %dma_wait3A_43 = tpu.memref_slice %arg6[%dma_wait3A_36, %dma_wait3A_41, %dma_wait3A_42] : memref<2x8192x128xf32, #tpu.memory_space<hbm>> -> memref<1x256x128xf32, #tpu.memory_space<hbm>>
    %dma_wait3A_44 = tpu.memref_squeeze %dma_wait3A_43 : memref<1x256x128xf32, #tpu.memory_space<hbm>> -> memref<256x128xf32, #tpu.memory_space<hbm>>
    tpu.wait_dma2 semaphore(%arg12 : memref<!tpu.dma_semaphore, #tpu.memory_space<semaphore_mem>>) src(%dma_wait3A_44 : memref<256x128xf32, #tpu.memory_space<hbm>>) dst(%arg10 : memref<256x128xf32, #tpu.memory_space<vmem>>)
    %iota3A_45 = tpu.iota {dimensions = array<i32: 0>} : vector<16xi32>
    %scan3A_46 = arith.constant 0 : i32
    %scan3A_47 = arith.constant 0 : i32
    %scan3A_48 = arith.constant 32 : i32
    %scan3A_49 = arith.addi %scan3A_47, %scan3A_48 : i32
    %scan3A_50 = arith.constant 1 : i32
    scf.for %scan3A_73 = %scan3A_47 to %scan3A_49 step %scan3A_50  : i32 {
      %mul3A_74 = arith.constant 16 : i32
      %mul3A_75 = arith.muli %scan3A_73, %mul3A_74 : i32
      %add3A_76 = vector.broadcast %mul3A_75 : i32 to vector<16xi32>
      %add3A_77 = arith.addi %add3A_76, %iota3A_45 : vector<16xi32>
      %shift_right_logical3A = arith.constant 1 : i32
      %shift_right_logical3A_78 = vector.broadcast %shift_right_logical3A : i32 to vector<16xi32>
      %shift_right_logical3A_79 = arith.shrui %add3A_77, %shift_right_logical3A_78 : vector<16xi32>
      %and3A = arith.constant 1 : i32
      %and3A_80 = vector.broadcast %and3A : i32 to vector<16xi32>
      %and3A_81 = arith.andi %add3A_77, %and3A_80 : vector<16xi32>
      %shift_left3A = arith.constant 6 : i32
      %shift_left3A_82 = vector.broadcast %shift_left3A : i32 to vector<16xi32>
      %shift_left3A_83 = arith.shli %and3A_81, %shift_left3A_82 : vector<16xi32>
      %broadcast_in_dim3A = arith.constant 0.000000e+00 : f32
      %broadcast_in_dim3A_84 = vector.broadcast %broadcast_in_dim3A : f32 to vector<16xf32>
      %scan3A_85 = arith.constant 0 : i32
      %scan3A_86 = arith.constant 64 : i32
      %scan3A_87 = arith.addi %scan3A_85, %scan3A_86 : i32
      %scan3A_88 = arith.constant 8 : i32
      %scan3A_89 = scf.for %scan3A_124 = %scan3A_85 to %scan3A_87 step %scan3A_88 iter_args(%scan3A_125 = %broadcast_in_dim3A_84) -> (vector<16xf32>)  : i32 {
        %add3A_126 = vector.broadcast %scan3A_124 : i32 to vector<16xi32>
        %add3A_127 = arith.addi %shift_left3A_83, %add3A_126 : vector<16xi32>
        %gather3A = tpu.vector_load_idx %arg10[%shift_right_logical3A_79, %add3A_127] : memref<256x128xf32, #tpu.memory_space<vmem>>[vector<16xi32>, vector<16xi32>], vector<16xf32>,
        %mul3A_128 = arith.mulf %gather3A, %gather3A : vector<16xf32>
        %add3A_129 = arith.addf %scan3A_125, %mul3A_128 : vector<16xf32>
        %scan3A_130 = arith.constant 1 : i32
        %scan3A_131 = arith.addi %scan3A_124, %scan3A_130 : i32
        %add3A_132 = vector.broadcast %scan3A_131 : i32 to vector<16xi32>
        %add3A_133 = arith.addi %shift_left3A_83, %add3A_132 : vector<16xi32>
        %gather3A_134 = tpu.vector_load_idx %arg10[%shift_right_logical3A_79, %add3A_133] : memref<256x128xf32, #tpu.memory_space<vmem>>[vector<16xi32>, vector<16xi32>], vector<16xf32>,
        %mul3A_135 = arith.mulf %gather3A_134, %gather3A_134 : vector<16xf32>
        %add3A_136 = arith.addf %add3A_129, %mul3A_135 : vector<16xf32>
        %scan3A_137 = arith.constant 2 : i32
        %scan3A_138 = arith.addi %scan3A_124, %scan3A_137 : i32
        %add3A_139 = vector.broadcast %scan3A_138 : i32 to vector<16xi32>
        %add3A_140 = arith.addi %shift_left3A_83, %add3A_139 : vector<16xi32>
        %gather3A_141 = tpu.vector_load_idx %arg10[%shift_right_logical3A_79, %add3A_140] : memref<256x128xf32, #tpu.memory_space<vmem>>[vector<16xi32>, vector<16xi32>], vector<16xf32>,
        %mul3A_142 = arith.mulf %gather3A_141, %gather3A_141 : vector<16xf32>
        %add3A_143 = arith.addf %add3A_136, %mul3A_142 : vector<16xf32>
        %scan3A_144 = arith.constant 3 : i32
        %scan3A_145 = arith.addi %scan3A_124, %scan3A_144 : i32
        %add3A_146 = vector.broadcast %scan3A_145 : i32 to vector<16xi32>
        %add3A_147 = arith.addi %shift_left3A_83, %add3A_146 : vector<16xi32>
        %gather3A_148 = tpu.vector_load_idx %arg10[%shift_right_logical3A_79, %add3A_147] : memref<256x128xf32, #tpu.memory_space<vmem>>[vector<16xi32>, vector<16xi32>], vector<16xf32>,
        %mul3A_149 = arith.mulf %gather3A_148, %gather3A_148 : vector<16xf32>
        %add3A_150 = arith.addf %add3A_143, %mul3A_149 : vector<16xf32>
        %scan3A_151 = arith.constant 4 : i32
        %scan3A_152 = arith.addi %scan3A_124, %scan3A_151 : i32
        %add3A_153 = vector.broadcast %scan3A_152 : i32 to vector<16xi32>
        %add3A_154 = arith.addi %shift_left3A_83, %add3A_153 : vector<16xi32>
        %gather3A_155 = tpu.vector_load_idx %arg10[%shift_right_logical3A_79, %add3A_154] : memref<256x128xf32, #tpu.memory_space<vmem>>[vector<16xi32>, vector<16xi32>], vector<16xf32>,
        %mul3A_156 = arith.mulf %gather3A_155, %gather3A_155 : vector<16xf32>
        %add3A_157 = arith.addf %add3A_150, %mul3A_156 : vector<16xf32>
        %scan3A_158 = arith.constant 5 : i32
        %scan3A_159 = arith.addi %scan3A_124, %scan3A_158 : i32
        %add3A_160 = vector.broadcast %scan3A_159 : i32 to vector<16xi32>
        %add3A_161 = arith.addi %shift_left3A_83, %add3A_160 : vector<16xi32>
        %gather3A_162 = tpu.vector_load_idx %arg10[%shift_right_logical3A_79, %add3A_161] : memref<256x128xf32, #tpu.memory_space<vmem>>[vector<16xi32>, vector<16xi32>], vector<16xf32>,
        %mul3A_163 = arith.mulf %gather3A_162, %gather3A_162 : vector<16xf32>
        %add3A_164 = arith.addf %add3A_157, %mul3A_163 : vector<16xf32>
        %scan3A_165 = arith.constant 6 : i32
        %scan3A_166 = arith.addi %scan3A_124, %scan3A_165 : i32
        %add3A_167 = vector.broadcast %scan3A_166 : i32 to vector<16xi32>
        %add3A_168 = arith.addi %shift_left3A_83, %add3A_167 : vector<16xi32>
        %gather3A_169 = tpu.vector_load_idx %arg10[%shift_right_logical3A_79, %add3A_168] : memref<256x128xf32, #tpu.memory_space<vmem>>[vector<16xi32>, vector<16xi32>], vector<16xf32>,
        %mul3A_170 = arith.mulf %gather3A_169, %gather3A_169 : vector<16xf32>
        %add3A_171 = arith.addf %add3A_164, %mul3A_170 : vector<16xf32>
        %scan3A_172 = arith.constant 7 : i32
        %scan3A_173 = arith.addi %scan3A_124, %scan3A_172 : i32
        %add3A_174 = vector.broadcast %scan3A_173 : i32 to vector<16xi32>
        %add3A_175 = arith.addi %shift_left3A_83, %add3A_174 : vector<16xi32>
        %gather3A_176 = tpu.vector_load_idx %arg10[%shift_right_logical3A_79, %add3A_175] : memref<256x128xf32, #tpu.memory_space<vmem>>[vector<16xi32>, vector<16xi32>], vector<16xf32>,
        %mul3A_177 = arith.mulf %gather3A_176, %gather3A_176 : vector<16xf32>
        %add3A_178 = arith.addf %add3A_171, %mul3A_177 : vector<16xf32>
        scf.yield %add3A_178 : vector<16xf32>
      }
      %scan3A_90 = arith.constant 64 : i32
      %bitcast_convert_type3A = tpu.bitcast %scan3A_89 : vector<16xf32> -> vector<16xi32>
      %shift_right_logical3A_91 = arith.constant 1 : i32
      %shift_right_logical3A_92 = vector.broadcast %shift_right_logical3A_91 : i32 to vector<16xi32>
      %shift_right_logical3A_93 = arith.shrui %bitcast_convert_type3A, %shift_right_logical3A_92 : vector<16xi32>
      %sub3A = arith.constant 1597463007 : i32
      %sub3A_94 = vector.broadcast %sub3A : i32 to vector<16xi32>
      %sub3A_95 = arith.subi %sub3A_94, %shift_right_logical3A_93 : vector<16xi32>
      %bitcast_convert_type3A_96 = tpu.bitcast %sub3A_95 : vector<16xi32> -> vector<16xf32>
      %mul3A_97 = arith.constant 5.000000e-01 : f32
      %mul3A_98 = vector.broadcast %mul3A_97 : f32 to vector<16xf32>
      %mul3A_99 = arith.mulf %scan3A_89, %mul3A_98 : vector<16xf32>
      %mul3A_100 = arith.mulf %mul3A_99, %bitcast_convert_type3A_96 : vector<16xf32>
      %mul3A_101 = arith.mulf %mul3A_100, %bitcast_convert_type3A_96 : vector<16xf32>
      %sub3A_102 = arith.constant 1.500000e+00 : f32
      %sub3A_103 = vector.broadcast %sub3A_102 : f32 to vector<16xf32>
      %sub3A_104 = arith.subf %sub3A_103, %mul3A_101 : vector<16xf32>
      %mul3A_105 = arith.mulf %bitcast_convert_type3A_96, %sub3A_104 : vector<16xf32>
      %mul3A_106 = arith.mulf %mul3A_99, %mul3A_105 : vector<16xf32>
      %mul3A_107 = arith.mulf %mul3A_106, %mul3A_105 : vector<16xf32>
      %sub3A_108 = arith.constant 1.500000e+00 : f32
      %sub3A_109 = vector.broadcast %sub3A_108 : f32 to vector<16xf32>
      %sub3A_110 = arith.subf %sub3A_109, %mul3A_107 : vector<16xf32>
      %mul3A_111 = arith.mulf %mul3A_105, %sub3A_110 : vector<16xf32>
      %mul3A_112 = arith.mulf %mul3A_99, %mul3A_111 : vector<16xf32>
      %mul3A_113 = arith.mulf %mul3A_112, %mul3A_111 : vector<16xf32>
      %sub3A_114 = arith.constant 1.500000e+00 : f32
      %sub3A_115 = vector.broadcast %sub3A_114 : f32 to vector<16xf32>
      %sub3A_116 = arith.subf %sub3A_115, %mul3A_113 : vector<16xf32>
      %mul3A_117 = arith.mulf %mul3A_111, %sub3A_116 : vector<16xf32>
      %scan3A_118 = arith.constant 0 : i32
      %scan3A_119 = arith.constant 0 : i32
      %scan3A_120 = arith.constant 64 : i32
      %scan3A_121 = arith.addi %scan3A_119, %scan3A_120 : i32
      %scan3A_122 = arith.constant 8 : i32
      scf.for %scan3A_124 = %scan3A_119 to %scan3A_121 step %scan3A_122  : i32 {
        %add3A_125 = vector.broadcast %scan3A_124 : i32 to vector<16xi32>
        %add3A_126 = arith.addi %shift_left3A_83, %add3A_125 : vector<16xi32>
        %gather3A = tpu.vector_load_idx %arg10[%shift_right_logical3A_79, %add3A_126] : memref<256x128xf32, #tpu.memory_space<vmem>>[vector<16xi32>, vector<16xi32>], vector<16xf32>,
        %add3A_127 = vector.broadcast %scan3A_124 : i32 to vector<16xi32>
        %add3A_128 = arith.addi %shift_left3A_83, %add3A_127 : vector<16xi32>
        %mul3A_129 = arith.mulf %gather3A, %mul3A_117 : vector<16xf32>
        tpu.vector_store_idx %arg10[%shift_right_logical3A_79, %add3A_128], %mul3A_129 : memref<256x128xf32, #tpu.memory_space<vmem>>[vector<16xi32>, vector<16xi32>], vector<16xf32>,
        %scan3A_130 = arith.constant 1 : i32
        %scan3A_131 = arith.addi %scan3A_124, %scan3A_130 : i32
        %add3A_132 = vector.broadcast %scan3A_131 : i32 to vector<16xi32>
        %add3A_133 = arith.addi %shift_left3A_83, %add3A_132 : vector<16xi32>
        %gather3A_134 = tpu.vector_load_idx %arg10[%shift_right_logical3A_79, %add3A_133] : memref<256x128xf32, #tpu.memory_space<vmem>>[vector<16xi32>, vector<16xi32>], vector<16xf32>,
        %add3A_135 = vector.broadcast %scan3A_131 : i32 to vector<16xi32>
        %add3A_136 = arith.addi %shift_left3A_83, %add3A_135 : vector<16xi32>
        %mul3A_137 = arith.mulf %gather3A_134, %mul3A_117 : vector<16xf32>
        tpu.vector_store_idx %arg10[%shift_right_logical3A_79, %add3A_136], %mul3A_137 : memref<256x128xf32, #tpu.memory_space<vmem>>[vector<16xi32>, vector<16xi32>], vector<16xf32>,
        %scan3A_138 = arith.constant 2 : i32
        %scan3A_139 = arith.addi %scan3A_124, %scan3A_138 : i32
        %add3A_140 = vector.broadcast %scan3A_139 : i32 to vector<16xi32>
        %add3A_141 = arith.addi %shift_left3A_83, %add3A_140 : vector<16xi32>
        %gather3A_142 = tpu.vector_load_idx %arg10[%shift_right_logical3A_79, %add3A_141] : memref<256x128xf32, #tpu.memory_space<vmem>>[vector<16xi32>, vector<16xi32>], vector<16xf32>,
        %add3A_143 = vector.broadcast %scan3A_139 : i32 to vector<16xi32>
        %add3A_144 = arith.addi %shift_left3A_83, %add3A_143 : vector<16xi32>
        %mul3A_145 = arith.mulf %gather3A_142, %mul3A_117 : vector<16xf32>
        tpu.vector_store_idx %arg10[%shift_right_logical3A_79, %add3A_144], %mul3A_145 : memref<256x128xf32, #tpu.memory_space<vmem>>[vector<16xi32>, vector<16xi32>], vector<16xf32>,
        %scan3A_146 = arith.constant 3 : i32
        %scan3A_147 = arith.addi %scan3A_124, %scan3A_146 : i32
        %add3A_148 = vector.broadcast %scan3A_147 : i32 to vector<16xi32>
        %add3A_149 = arith.addi %shift_left3A_83, %add3A_148 : vector<16xi32>
        %gather3A_150 = tpu.vector_load_idx %arg10[%shift_right_logical3A_79, %add3A_149] : memref<256x128xf32, #tpu.memory_space<vmem>>[vector<16xi32>, vector<16xi32>], vector<16xf32>,
        %add3A_151 = vector.broadcast %scan3A_147 : i32 to vector<16xi32>
        %add3A_152 = arith.addi %shift_left3A_83, %add3A_151 : vector<16xi32>
        %mul3A_153 = arith.mulf %gather3A_150, %mul3A_117 : vector<16xf32>
        tpu.vector_store_idx %arg10[%shift_right_logical3A_79, %add3A_152], %mul3A_153 : memref<256x128xf32, #tpu.memory_space<vmem>>[vector<16xi32>, vector<16xi32>], vector<16xf32>,
        %scan3A_154 = arith.constant 4 : i32
        %scan3A_155 = arith.addi %scan3A_124, %scan3A_154 : i32
        %add3A_156 = vector.broadcast %scan3A_155 : i32 to vector<16xi32>
        %add3A_157 = arith.addi %shift_left3A_83, %add3A_156 : vector<16xi32>
        %gather3A_158 = tpu.vector_load_idx %arg10[%shift_right_logical3A_79, %add3A_157] : memref<256x128xf32, #tpu.memory_space<vmem>>[vector<16xi32>, vector<16xi32>], vector<16xf32>,
        %add3A_159 = vector.broadcast %scan3A_155 : i32 to vector<16xi32>
        %add3A_160 = arith.addi %shift_left3A_83, %add3A_159 : vector<16xi32>
        %mul3A_161 = arith.mulf %gather3A_158, %mul3A_117 : vector<16xf32>
        tpu.vector_store_idx %arg10[%shift_right_logical3A_79, %add3A_160], %mul3A_161 : memref<256x128xf32, #tpu.memory_space<vmem>>[vector<16xi32>, vector<16xi32>], vector<16xf32>,
        %scan3A_162 = arith.constant 5 : i32
        %scan3A_163 = arith.addi %scan3A_124, %scan3A_162 : i32
        %add3A_164 = vector.broadcast %scan3A_163 : i32 to vector<16xi32>
        %add3A_165 = arith.addi %shift_left3A_83, %add3A_164 : vector<16xi32>
        %gather3A_166 = tpu.vector_load_idx %arg10[%shift_right_logical3A_79, %add3A_165] : memref<256x128xf32, #tpu.memory_space<vmem>>[vector<16xi32>, vector<16xi32>], vector<16xf32>,
        %add3A_167 = vector.broadcast %scan3A_163 : i32 to vector<16xi32>
        %add3A_168 = arith.addi %shift_left3A_83, %add3A_167 : vector<16xi32>
        %mul3A_169 = arith.mulf %gather3A_166, %mul3A_117 : vector<16xf32>
        tpu.vector_store_idx %arg10[%shift_right_logical3A_79, %add3A_168], %mul3A_169 : memref<256x128xf32, #tpu.memory_space<vmem>>[vector<16xi32>, vector<16xi32>], vector<16xf32>,
        %scan3A_170 = arith.constant 6 : i32
        %scan3A_171 = arith.addi %scan3A_124, %scan3A_170 : i32
        %add3A_172 = vector.broadcast %scan3A_171 : i32 to vector<16xi32>
        %add3A_173 = arith.addi %shift_left3A_83, %add3A_172 : vector<16xi32>
        %gather3A_174 = tpu.vector_load_idx %arg10[%shift_right_logical3A_79, %add3A_173] : memref<256x128xf32, #tpu.memory_space<vmem>>[vector<16xi32>, vector<16xi32>], vector<16xf32>,
        %add3A_175 = vector.broadcast %scan3A_171 : i32 to vector<16xi32>
        %add3A_176 = arith.addi %shift_left3A_83, %add3A_175 : vector<16xi32>
        %mul3A_177 = arith.mulf %gather3A_174, %mul3A_117 : vector<16xf32>
        tpu.vector_store_idx %arg10[%shift_right_logical3A_79, %add3A_176], %mul3A_177 : memref<256x128xf32, #tpu.memory_space<vmem>>[vector<16xi32>, vector<16xi32>], vector<16xf32>,
        %scan3A_178 = arith.constant 7 : i32
        %scan3A_179 = arith.addi %scan3A_124, %scan3A_178 : i32
        %add3A_180 = vector.broadcast %scan3A_179 : i32 to vector<16xi32>
        %add3A_181 = arith.addi %shift_left3A_83, %add3A_180 : vector<16xi32>
        %gather3A_182 = tpu.vector_load_idx %arg10[%shift_right_logical3A_79, %add3A_181] : memref<256x128xf32, #tpu.memory_space<vmem>>[vector<16xi32>, vector<16xi32>], vector<16xf32>,
        %add3A_183 = vector.broadcast %scan3A_179 : i32 to vector<16xi32>
        %add3A_184 = arith.addi %shift_left3A_83, %add3A_183 : vector<16xi32>
        %mul3A_185 = arith.mulf %gather3A_182, %mul3A_117 : vector<16xf32>
        tpu.vector_store_idx %arg10[%shift_right_logical3A_79, %add3A_184], %mul3A_185 : memref<256x128xf32, #tpu.memory_space<vmem>>[vector<16xi32>, vector<16xi32>], vector<16xf32>,
      }
      %scan3A_123 = arith.constant 64 : i32
    }
    %scan3A_51 = arith.constant 32 : i32
    %dma_start3A_52 = arith.constant 1 : i32
    %dma_start3A_53 = arith.constant 0 : i32
    %dma_start3A_54 = tpu.memref_slice %arg6[%dma_start3A_52, %mul3A_4, %dma_start3A_53] : memref<2x8192x128xf32, #tpu.memory_space<hbm>> -> memref<1x256x128xf32, #tpu.memory_space<hbm>>
    %dma_start3A_55 = tpu.memref_squeeze %dma_start3A_54 : memref<1x256x128xf32, #tpu.memory_space<hbm>> -> memref<256x128xf32, #tpu.memory_space<hbm>>
    %dma_start3A_56 = arith.constant 0 : i32
    %dma_start3A_57 = tpu.memref_slice %arg6[%dma_start3A_52, %mul3A_4, %dma_start3A_56] : memref<2x8192x128xf32, #tpu.memory_space<hbm>> -> memref<1x256x128xf32, #tpu.memory_space<hbm>>
    %dma_start3A_58 = tpu.memref_squeeze %dma_start3A_57 : memref<1x256x128xf32, #tpu.memory_space<hbm>> -> memref<256x128xf32, #tpu.memory_space<hbm>>
    tpu.enqueue_dma source(%arg10 : memref<256x128xf32, #tpu.memory_space<vmem>>) target(%dma_start3A_58 : memref<256x128xf32, #tpu.memory_space<hbm>>) target_semaphore(%arg13 : memref<!tpu.dma_semaphore, #tpu.memory_space<semaphore_mem>>)
    %dma_wait3A_59 = arith.constant 0 : i32
    %dma_wait3A_60 = arith.constant 0 : i32
    %dma_wait3A_61 = tpu.memref_slice %arg6[%dma_wait3A_59, %mul3A_4, %dma_wait3A_60] : memref<2x8192x128xf32, #tpu.memory_space<hbm>> -> memref<1x256x128xf32, #tpu.memory_space<hbm>>
    %dma_wait3A_62 = tpu.memref_squeeze %dma_wait3A_61 : memref<1x256x128xf32, #tpu.memory_space<hbm>> -> memref<256x128xf32, #tpu.memory_space<hbm>>
    %dma_wait3A_63 = arith.constant 0 : i32
    %dma_wait3A_64 = tpu.memref_slice %arg6[%dma_wait3A_59, %mul3A_4, %dma_wait3A_63] : memref<2x8192x128xf32, #tpu.memory_space<hbm>> -> memref<1x256x128xf32, #tpu.memory_space<hbm>>
    %dma_wait3A_65 = tpu.memref_squeeze %dma_wait3A_64 : memref<1x256x128xf32, #tpu.memory_space<hbm>> -> memref<256x128xf32, #tpu.memory_space<hbm>>
    tpu.wait_dma2 semaphore(%arg13 : memref<!tpu.dma_semaphore, #tpu.memory_space<semaphore_mem>>) src(%arg9 : memref<256x128xf32, #tpu.memory_space<vmem>>) dst(%dma_wait3A_65 : memref<256x128xf32, #tpu.memory_space<hbm>>)
    %dma_wait3A_66 = arith.constant 1 : i32
    %dma_wait3A_67 = arith.constant 0 : i32
    %dma_wait3A_68 = tpu.memref_slice %arg6[%dma_wait3A_66, %mul3A_4, %dma_wait3A_67] : memref<2x8192x128xf32, #tpu.memory_space<hbm>> -> memref<1x256x128xf32, #tpu.memory_space<hbm>>
    %dma_wait3A_69 = tpu.memref_squeeze %dma_wait3A_68 : memref<1x256x128xf32, #tpu.memory_space<hbm>> -> memref<256x128xf32, #tpu.memory_space<hbm>>
    %dma_wait3A_70 = arith.constant 0 : i32
    %dma_wait3A_71 = tpu.memref_slice %arg6[%dma_wait3A_66, %mul3A_4, %dma_wait3A_70] : memref<2x8192x128xf32, #tpu.memory_space<hbm>> -> memref<1x256x128xf32, #tpu.memory_space<hbm>>
    %dma_wait3A_72 = tpu.memref_squeeze %dma_wait3A_71 : memref<1x256x128xf32, #tpu.memory_space<hbm>> -> memref<256x128xf32, #tpu.memory_space<hbm>>
    tpu.wait_dma2 semaphore(%arg13 : memref<!tpu.dma_semaphore, #tpu.memory_space<semaphore_mem>>) src(%arg10 : memref<256x128xf32, #tpu.memory_space<vmem>>) dst(%dma_wait3A_72 : memref<256x128xf32, #tpu.memory_space<hbm>>)
    return
  }
}

</mosaic_0001>

<sc_bundles>
// kernel: kernel.3.cloned.1.call-start
scs
__scs_entry_jumppad:
0x0: {  	(pc) =	sbr.rel $0x88, $3  }
0x1: {  	(tag) =	ssettag $0x0;
	lr =	simm.s32 $0x1  }
0x2: {  	[smem:$0x3F9D] =	sst lr;
	_ =	strace $0xD0000000  }
0x3: {  	_ = 	snop  }
0x4: {  	_ = 	snop  }
0x5: {  	_ = 	snop  }
0x6: {  	_ = 	snop  }
0x7: {  	_ = 	snop  }
__scs_overlays_trampoline_lowered:
0x8: {  	[smem:$0x3FAC] =	sst s0  }
0x9: {  	[smem:$0x3FAD] =	sst s1  }
0xa: {  	[smem:$0x3FAE] =	sst s2  }
0xb: {  	[smem:$0x3FAF] =	sst s3  }
0xc: {  	[smem:$0x3FB0] =	sst s4  }
0xd: {  	[smem:$0x3FB1] =	sst s5  }
0xe: {  	[smem:$0x3FB2] =	sst s6  }
0xf: {  	[smem:$0x3FB3] =	sst s7  }
0x10: {  	[smem:$0x3FB4] =	sst s8  }
0x11: {  	[smem:$0x3FB5] =	sst s9;
	s0 =	simm.s32 @!p0 $0x0  }
0x12: {  	s1 =	sld [smem:$0x3F9B];
	s0 =	simm.s32 @p0 $0x1  }
0x13: {  	[smem:$0x3FB6] =	sst s0;
	s0 =	simm.s32 @!p1 $0x0  }
0x14: {  	s2 =	sld [smem:$0x3F9A];
	s0 =	simm.s32 @p1 $0x1  }
0x15: {  	[smem:$0x3FB7] =	sst s0;
	s0 =	simm.s32 @!p2 $0x0  }
0x16: {  	s3 =	sld [smem:$0x3FDB];
	s0 =	simm.s32 @p2 $0x1  }
0x17: {  	s4 =	simm.s32 $0x1BF5;
	[smem:$0x3FB9] =	sst s0  }
0x18: {  	s0 =	sld [smem:$0x3F9C];
	_ =	swait.ge [sflag:s4], $0x0  }
0x19: {  	s7 =	sld [smem:$0x3F9D]  }
0x1a: {  	s8 =	sadd.s32 $0xFFFFE003, lr  }
0x1b: {  	s9 =	sadd.s32 $0xFFFFFEF7, lr;
	s5 =	simm.s32 $0xFFFFFFFF;
	p2 =	slt.u32 s8, $0xFFFFF086  }
0x1c: {  	p1 =	slt.u32 s9, $0xF7A;
	s5 =	simm.s32 @!p2 $0x0  }
0x1d: {  	s5 =	simm.s32 @p1 $0x1;
	p0 =	seq.s32 s7, s2  }
0x1e: {  	s7 =	smul.u32 @!p0 $0xF7A, s2;
	p2 =	seq.s32 @!p0 s5, $0x0  }
0x1f: {  	s9 =	smul.u32 $0xF7A, s1;
	s8 =	simm.s32 @!p0 $0x1BF5;
	p2 =	por !p2, p0  }
0x20: {  	[sflag:s8] =	ssyncset.s32 @!p0 $0xFFFFF086;
	s6 =	sadd.s32 @!p0 s3, s7;
	s7 =	simm.s32 @!p0 $0x108  }
0x21: {  	s3 =	sadd.s32 s3, s9;
	s6 =	sadd.s32 @!p0 $0x88, s6;
	s7 =	simm.s32 @p2 $0x1082  }
0x22: {  	[simem:s7], [sflag:s8] =	dma.local @!p0 [hbm:s6], $0xF7A  }
0x23: {  	s9 =	sor.u32 $0xD0000000, s2;
	s6 =	simm.s32 $0x108;
	_ =	swait.ge @!p0 [sflag:s8], $0x0  }
0x24: {  	s3 =	sadd.s32 $0x88, s3;
	s6 =	simm.s32 @!p1 $0x1082;
	[sflag:s4] =	ssyncset.s32 $0xFFFFF086  }
0x25: {  	[simem:s6], [sflag:s4] =	dma.local [hbm:s3], $0xF7A  }
0x26: {  	[smem:$0x3F9D] =	sst s1;
	(tag) =	ssettag s2;
	_ =	strace s9  }
0x27: {  	s1 =	sld [smem:$0x3FAD]  }
0x28: {  	s2 =	sld [smem:$0x3FAE]  }
0x29: {  	s4 =	sld [smem:$0x3FB0]  }
0x2a: {  	p0 =	seq.s32 s5, $0x0;
	s5 =	sld [smem:$0x3FB1]  }
0x2b: {  	s6 =	sld [smem:$0x3FB2]  }
0x2c: {  	s7 =	sld [smem:$0x3FB3]  }
0x2d: {  	s3 =	simm.s32 $0x108;
	s8 =	sld [smem:$0x3FB4]  }
0x2e: {  	s3 =	simm.s32 @!p0 $0x1082;
	s9 =	sld [smem:$0x3FB5]  }
0x2f: {  	lr =	sadd.s32 s0, s3;
	s0 =	sld [smem:$0x3FAC]  }
0x30: {  	s3 =	sld [smem:$0x3FAF]  }
0x31: {  	[smem:$0x3FB8] =	sst s10  }
0x32: {  	s10 =	sld [smem:$0x3FB6];
	_ =	sdelay $0x3  }
0x33: {  	p0 =	seq.s32 s10, $0x1;
	s10 =	sld [smem:$0x3FB8];
	_ =	sdelay $0x3  }
0x34: {  	[smem:$0x3FB8] =	sst s10  }
0x35: {  	s10 =	sld [smem:$0x3FB7];
	_ =	sdelay $0x3  }
0x36: {  	p1 =	seq.s32 s10, $0x1;
	s10 =	sld [smem:$0x3FB8];
	_ =	sdelay $0x3  }
0x37: {  	[smem:$0x3FB8] =	sst s10  }
0x38: {  	s10 =	sld [smem:$0x3FB9]  }
0x39: {  	_ = 	snop;
	(pc) =	sbr.ind lr, $3  }
0x3a: {  	_ = 	snop  }
0x3b: {  	_ = 	snop  }
0x3c: {  	p2 =	seq.s32 s10, $0x1;
	s10 =	sld [smem:$0x3FB8]  }
0x3d: {  	_ =	shalt  }
0x3e: {  	_ =	shalt  }
0x3f: {  	_ =	shalt  }
0x40: {  	_ =	shalt  }
0x41: {  	_ =	shalt  }
0x42: {  	_ =	shalt  }
0x43: {  	_ =	shalt  }
0x44: {  	_ =	shalt  }
0x45: {  	_ =	shalt  }
0x46: {  	_ =	shalt  }
0x47: {  	_ =	shalt  }
0x48: {  	_ =	shalt  }
0x49: {  	_ =	shalt  }
0x4a: {  	_ =	shalt  }
0x4b: {  	_ =	shalt  }
0x4c: {  	_ =	shalt  }
0x4d: {  	_ =	shalt  }
0x4e: {  	_ =	shalt  }
0x4f: {  	_ =	shalt  }
0x50: {  	_ =	shalt  }
0x51: {  	_ =	shalt  }
0x52: {  	_ =	shalt  }
0x53: {  	_ =	shalt  }
0x54: {  	_ =	shalt  }
0x55: {  	_ =	shalt  }
0x56: {  	_ =	shalt  }
0x57: {  	_ =	shalt  }
0x58: {  	_ =	shalt  }
0x59: {  	_ =	shalt  }
0x5a: {  	_ =	shalt  }
0x5b: {  	_ =	shalt  }
0x5c: {  	_ =	shalt  }
0x5d: {  	_ =	shalt  }
0x5e: {  	_ =	shalt  }
0x5f: {  	_ =	shalt  }
0x60: {  	_ =	shalt  }
0x61: {  	_ =	shalt  }
0x62: {  	_ =	shalt  }
0x63: {  	_ =	shalt  }
0x64: {  	_ =	shalt  }
0x65: {  	_ =	shalt  }
0x66: {  	_ =	shalt  }
0x67: {  	_ =	shalt  }
0x68: {  	_ =	shalt  }
0x69: {  	_ =	shalt  }
0x6a: {  	_ =	shalt  }
0x6b: {  	_ =	shalt  }
0x6c: {  	_ =	shalt  }
0x6d: {  	_ =	shalt  }
0x6e: {  	_ =	shalt  }
0x6f: {  	_ =	shalt  }
0x70: {  	_ =	shalt  }
0x71: {  	_ =	shalt  }
0x72: {  	_ =	shalt  }
0x73: {  	_ =	shalt  }
0x74: {  	_ =	shalt  }
0x75: {  	_ =	shalt  }
0x76: {  	_ =	shalt  }
0x77: {  	_ =	shalt  }
0x78: {  	_ =	shalt  }
0x79: {  	_ =	shalt  }
0x7a: {  	_ =	shalt  }
0x7b: {  	_ =	shalt  }
0x7c: {  	_ =	shalt  }
0x7d: {  	_ =	shalt  }
0x7e: {  	_ =	shalt  }
0x7f: {  	_ =	shalt  }
0x80: {  	_ =	shalt  }
0x81: {  	_ =	shalt  }
0x82: {  	_ =	shalt  }
0x83: {  	_ =	shalt  }
0x84: {  	_ =	shalt  }
0x85: {  	_ =	shalt  }
0x86: {  	_ =	shalt  }
0x87: {  	_ =	shalt  }
.Lfunc_end0:
.L_simem_size_0:
called_computation_lowered:
.L_overlay_start_0:
0x88: {  	s2 =	sld [smem:$0x3FD9]  }
0x89: {  	s3 =	sld [smem:$0x3FFE];
	_ =	sdelay $0x1  }
0x8a: {  	s1 =	srdreg.scid  }
0x8b: {  	s0 =	sand.u32 $0x1, s1  }
0x8c: {  	s17 =	sshll.u32 s0, $0xA;
	s2 =	sadd.s32 s3, s2  }
0x8d: {  	s2 =	sadd.s32 s2, s17  }
0x8e: {  	[smem:$0x3FC4] =	sst s2  }
0x8f: {  	_ = 	snop  }
0x90: {  	s2 =	sld [smem:$0x3FC9]  }
0x91: {  	s18 =	sld [smem:$0x3FC8]  }
0x92: {  	s4 =	sld [smem:$0x3FD0];
	(tm) =	ssettm $0x1  }
0x93: {  	s5 =	sld [smem:$0x3FFB];
	_ =	sdelay $0x3  }
0x94: {  	_ =	strace s5  }
0x95: {  	s5 =	sld [smem:$0x3FFC];
	_ =	sdelay $0x3  }
0x96: {  	_ =	strace s5  }
0x97: {  	s5 =	sld [smem:$0x3FFD];
	_ =	sdelay $0x3  }
0x98: {  	_ =	strace s5  }
0x99: {  	_ =	strace $0x8FFFFFFF  }
0x9a: {  	s19 =	sld [smem:$0x3FDB];
	_ =	sdelay $0x1  }
0x9b: {  	s6 =	simm.s32 $_scs_section_size  }
0x9c: {  	s7 =	simm.s32 $_size__tile_overlayer_lowered;
	s8 =	simm.s32 $_tile_overlayer_lowered  }
0x9d: {  	s22 =	simm.s32 $0x1BFF;
	s21 =	sshll.u32 s8, $0x1;
	s5 =	sadd.s32 s6, s19  }
0x9e: {  	s9 =	simm.s32 $0x0;
	s20 =	sshll.u32 s7, $0x1;
	s7 =	sadd.s32 s21, s5  }
0x9f: {  	[timem:s9], [sflag:s22] =	dma.local [hbm:s7], s20  }
0xa0: {  	_ =	swait.ge [sflag:s22], s20  }
0xa1: {  	s6 =	ssub.s32 $0x0, s20;
	[sflag:s22] =	ssyncset.done $0x0  }
0xa2: {  	[sflag:s22] =	ssyncadd.s32 s6;
	_ =	sdelay $0x1  }
0xa3: {  	s23 =	simm.s32 $0x1B8B  }
0xa4: {  	_ =	swait.ge [sflag:s23], $0x1  }
0xa5: {  	[sflag:s23] =	ssyncset.done $0x0  }
0xa6: {  	s25 =	simm.s32 $0x1B8E;
	s24 =	sld [smem:$0x3FFE];
	[sflag:s23] =	ssyncadd.s32 $0xFFFFFFFF  }
0xa7: {  	s26 =	simm.s32 $execute0_lowered;
	[smem:$0x3FD2] =	sst s25  }
0xa8: {  	s7 =	sshll.u32 s26, $0x1;
	_ =	strace $0x80000046;
	[dreg:$0x1] =	wrdreg $0xFFFFFFFF  }
0xa9: {  	s28 =	simm.s32 $_size_execute0_lowered;
	s5 =	sadd.s32 s5, s7;
	[dreg:$0x0] =	wrdreg $0x0  }
0xaa: {  	s7 =	sshll.u32 s28, $0x1;
	[dreg:$0x2] =	wrdreg s5  }
0xab: {  	[dreg:$0x3] =	wrdreg s7  }
0xac: {  	[dreg:$0x4] =	wrdreg $0xC0  }
0xad: {  	_ =	task [dreg:s9], $0x5FFFF  }
0xae: {  	[dreg:$0x1] =	wrdreg $0xFFFFFFFF  }
0xaf: {  	[dreg:$0x0] =	wrdreg $0x60  }
0xb0: {  	[dreg:$0x2] =	wrdreg s2  }
0xb1: {  	[dreg:$0x3] =	wrdreg s18  }
0xb2: {  	[dreg:$0x4] =	wrdreg s24  }
0xb3: {  	[dreg:$0x5] =	wrdreg s4  }
0xb4: {  	[dreg:$0x6] =	wrdreg $0x9  }
0xb5: {  	_ =	task.clear_ibuf [dreg:s9], $0x7FFFF;
	_ =	strace $0x90000046  }
0xb6: {  	s29 =	simm.s32 $0x9;
	_ =	strace $0x80000048  }
0xb7: {  	_ =	swait.ge [sflag:s29], $0x1  }
0xb8: {  	[sflag:s29] =	ssyncadd.s32 $0xFFFFFFFF  }
0xb9: {  	_ =	strace $0x90000048  }
0xba: {  	_ =	sfence  }
0xbb: {  	s30 =	sld [smem:$0x0];
	_ =	sdelay $0x2  }
0xbc: {  	s31 =	sshll.u32 s1, $0xD;
	s1 =	sshrl.u32 s1, $0x2  }
0xbd: {  	s3 =	sand.u32 $0x4000, s31;
	s1 =	sadd.s32 s1, s30  }
0xbe: {  	s0 =	sor.u32 s3, s0;
	s1 =	sshll.u32 s1, $0x11  }
0xbf: {  	s0 =	sor.u32 s1, s0  }
0xc0: {  	s0 =	sadd.s32 $0x8F2B, s0  }
0xc1: {  	[sflag:s0] =	ssyncadd.remote.s32 $0x1  }
0xc2: {  	_ =	sfence.sel $0xFFFF  }
0xc3: {  	[dreg:$0x0] =	wrdreg $0xFFFFFFFF;
	(pc) =	sbr.abs _section_cstart, $3  }
0xc4: {  	[dreg:$0x1] =	wrdreg $0xFFFFFFFF  }
0xc5: {  	_ =	task.clear_ibuf [dreg:s9], $0x2FFFF;
	_ =	strace $0x9FFFFFFF  }
0xc6: {  	(tm) =	ssettm $0x7FFFFFFF  }
0xc7: {  	_ =	shalt  }
tec
execute0_lowered:
.L_overlay_start_1:
0x0: {  	(tag) =	ssettag $0x1  }
0x1: {  	s5 =	rddreg [dreg:$0x0]  }
0x2: {  	s7 =	rddreg [dreg:$0x1]  }
0x3: {  	s4 =	rddreg [dreg:$0x2]  }
0x4: {  	s6 =	rddreg [dreg:$0x3];
	s2 =	simm.s32 $0x0;
	s8 =	srdreg.scid  }
0x5: {  	s0 =	stileid.u32;
	s12 =	simm.s32 $0x80;
	s13 =	simm.s32 $0x400  }
0x6: {  	s14 =	simm.s32 $0x1;
	s15 =	simm.s32 $0x2;
	s16 =	simm.s32 $0x8400  }
0x7: {  	s17 =	simm.s32 $0x3;
	s18 =	simm.s32 $0x0;
	[smem:$0x7FF] =	sst s2  }
0x8: {  	s3 =	sadd.s32 $0x400, s4;
	s8 =	sand.u32 $0x1, s8;
	s9 =	sshll.u32 s0, $0x1  }
0x9: {  	s4 =	sadd.s32 $0xF42800, s4;
	s10 =	ssub.s32 $0x2, s8;
	s8 =	sor.u32 s8, s9  }
0xa: {  	_ =	strace $0x80000047;
	s31 =	sshrl.u32 s10, $0x1;
	s11 =	sshll.u32 s8, $0x6  }
0xb: {  	v0 =	vlaneseq.u32;
	s8 =	sshll.u32 s8, $0xC;
	s9 =	ssub.s32 s10, s31;
	s5 =	sadd.s32 s5, s11  }
0xc: {  	v1 =	vand.u32 $0x1, v0;
	s6 =	sadd.s32 s6, s8;
	s7 =	sadd.s32 s7, s11;
	s10 =	simm.s32 $0x4  }
0xd: {  	v0 =	vmul.u32 $0x40, v0;
	v1 =	vmul.u32 $0x40, v1;
	s11 =	simm.s32 $0x200;
	s8 =	sadd.s32 $0x20000, s6;
	s9 =	smax.u32 s9, $0x1  }
.LBB2_1:
0xe: {  	[tilespmem:s2], [sflag:$0x4] =	stream.linear.gather [hbm4b:s5+s2], $0x200, $0x38;
	[tilespmem:$0x10400] =	vst v63  }
0xf: {  	_ =	swait.ge [sflag:s10], $0x200  }
0x10: {  	[sflag:s10] =	ssyncset.done $0x0  }
0x11: {  	[sflag:s10] =	ssyncadd.s32 $0xFFFFFE00  }
0x12: {  	[tilespmem:s11], [sflag:$0x4] =	stream.linear.gather [hbm4b:s7+s2], $0x200, $0x38;
	[tilespmem:$0x10400] =	vst v63  }
0x13: {  	_ =	swait.ge [sflag:s10], $0x200  }
0x14: {  	[sflag:s10] =	ssyncset.done $0x0  }
0x15: {  	[sflag:s10] =	ssyncadd.s32 $0xFFFFFE00  }
0x16: {  	v2 =	vld [tilespmem:s2+$0x0];
	_ =	sdelay $0x4  }
0x17: {  	v2 =	vshll.u32 v2, $0x4  }
0x18: {  	(v2sf) =	vpush v2, $0x0;
	_ =	sdelay $0x1  }
0x19: {  	(v2sf) =	vpush v2, $0x1;
	_ =	sdelay $0x3  }
0x1a: {  	(v2sf) =	vpush v2, $0x2;
	_ =	sdelay $0x3  }
0x1b: {  	(v2sf) =	vpush v2, $0x3;
	_ =	sdelay $0x3  }
0x1c: {  	(v2sf) =	vpush v2, $0x4  }
0x1d: {  	s19 =	spop (v2sf)  }
0x1e: {  	s19 =	sand.u32 $0x1FFFFFF0, s19  }
0x1f: {  	s21 =	simm.s32 $0x400;
	s20 =	spop (v2sf);
	s19 =	sadd.s32 s3, s19  }
0x20: {  	(v2sf) =	vpush v2, $0x5;
	[tilespmem:s21], [sflag:$0x1] =	stream.strided.gather [hbm4b:s19+s12], $0x0, s13, s12, $0x38;
	[tilespmem:$0x10400] =	vst v63  }
0x21: {  	s20 =	sand.u32 $0x1FFFFFF0, s20  }
0x22: {  	[tilespmem:s21], [sflag:$0x1] =	stream.linear.gather [hbm4b:s19+s2], $0x40, $0x38;
	[tilespmem:$0x10400] =	vst v63  }
0x23: {  	s28 =	simm.s32 $0x440;
	s29 =	spop (v2sf);
	s20 =	sadd.s32 s3, s20  }
0x24: {  	(v2sf) =	vpush v2, $0x6;
	[tilespmem:s28], [sflag:$0x1] =	stream.strided.gather [hbm4b:s20+s12], $0x0, s13, s12, $0x38;
	[tilespmem:$0x10400] =	vst v63  }
0x25: {  	s21 =	sand.u32 $0x1FFFFFF0, s29  }
0x26: {  	[tilespmem:s28], [sflag:$0x1] =	stream.linear.gather [hbm4b:s20+s2], $0x40, $0x38;
	[tilespmem:$0x10400] =	vst v63  }
0x27: {  	s31 =	simm.s32 $0x480;
	s30 =	spop (v2sf);
	s21 =	sadd.s32 s3, s21  }
0x28: {  	(v2sf) =	vpush v2, $0x7;
	[tilespmem:s31], [sflag:$0x1] =	stream.strided.gather [hbm4b:s21+s12], $0x0, s13, s12, $0x38;
	[tilespmem:$0x10400] =	vst v63  }
0x29: {  	s19 =	sand.u32 $0x1FFFFFF0, s30  }
0x2a: {  	[tilespmem:s31], [sflag:$0x1] =	stream.linear.gather [hbm4b:s21+s2], $0x40, $0x38;
	[tilespmem:$0x10400] =	vst v63  }
0x2b: {  	s1 =	simm.s32 $0x4C0;
	s0 =	spop (v2sf);
	s19 =	sadd.s32 s3, s19  }
0x2c: {  	(v2sf) =	vpush v2, $0x8;
	[tilespmem:s1], [sflag:$0x1] =	stream.strided.gather [hbm4b:s19+s12], $0x0, s13, s12, $0x38;
	[tilespmem:$0x10400] =	vst v63  }
0x2d: {  	s20 =	sand.u32 $0x1FFFFFF0, s0  }
0x2e: {  	[tilespmem:s1], [sflag:$0x1] =	stream.linear.gather [hbm4b:s19+s2], $0x40, $0x38;
	[tilespmem:$0x10400] =	vst v63  }
0x2f: {  	s22 =	simm.s32 $0x500;
	s20 =	sadd.s32 s3, s20;
	s21 =	spop (v2sf)  }
0x30: {  	(v2sf) =	vpush v2, $0x9;
	[tilespmem:s22], [sflag:$0x1] =	stream.strided.gather [hbm4b:s20+s12], $0x0, s13, s12, $0x38;
	[tilespmem:$0x10400] =	vst v63  }
0x31: {  	s19 =	sand.u32 $0x1FFFFFF0, s21  }
0x32: {  	[tilespmem:s22], [sflag:$0x1] =	stream.linear.gather [hbm4b:s20+s2], $0x40, $0x38;
	[tilespmem:$0x10400] =	vst v63  }
0x33: {  	s24 =	simm.s32 $0x540;
	s23 =	spop (v2sf);
	s19 =	sadd.s32 s3, s19  }
0x34: {  	(v2sf) =	vpush v2, $0xA;
	[tilespmem:s24], [sflag:$0x1] =	stream.strided.gather [hbm4b:s19+s12], $0x0, s13, s12, $0x38;
	[tilespmem:$0x10400] =	vst v63  }
0x35: {  	s20 =	sand.u32 $0x1FFFFFF0, s23  }
0x36: {  	[tilespmem:s24], [sflag:$0x1] =	stream.linear.gather [hbm4b:s19+s2], $0x40, $0x38;
	[tilespmem:$0x10400] =	vst v63  }
0x37: {  	s26 =	simm.s32 $0x580;
	s25 =	spop (v2sf);
	s20 =	sadd.s32 s3, s20  }
0x38: {  	(v2sf) =	vpush v2, $0xB;
	[tilespmem:s26], [sflag:$0x1] =	stream.strided.gather [hbm4b:s20+s12], $0x0, s13, s12, $0x38;
	[tilespmem:$0x10400] =	vst v63  }
0x39: {  	s19 =	sand.u32 $0x1FFFFFF0, s25  }
0x3a: {  	[tilespmem:s26], [sflag:$0x1] =	stream.linear.gather [hbm4b:s20+s2], $0x40, $0x38;
	[tilespmem:$0x10400] =	vst v63  }
0x3b: {  	s29 =	simm.s32 $0x5C0;
	s28 =	spop (v2sf);
	s19 =	sadd.s32 s3, s19  }
0x3c: {  	(v2sf) =	vpush v2, $0xC;
	[tilespmem:s29], [sflag:$0x1] =	stream.strided.gather [hbm4b:s19+s12], $0x0, s13, s12, $0x38;
	[tilespmem:$0x10400] =	vst v63  }
0x3d: {  	s20 =	sand.u32 $0x1FFFFFF0, s28  }
0x3e: {  	[tilespmem:s29], [sflag:$0x1] =	stream.linear.gather [hbm4b:s19+s2], $0x40, $0x38;
	[tilespmem:$0x10400] =	vst v63  }
0x3f: {  	s31 =	simm.s32 $0x600;
	s30 =	spop (v2sf);
	s20 =	sadd.s32 s3, s20  }
0x40: {  	(v2sf) =	vpush v2, $0xD;
	[tilespmem:s31], [sflag:$0x1] =	stream.strided.gather [hbm4b:s20+s12], $0x0, s13, s12, $0x38;
	[tilespmem:$0x10400] =	vst v63  }
0x41: {  	s19 =	sand.u32 $0x1FFFFFF0, s30  }
0x42: {  	[tilespmem:s31], [sflag:$0x1] =	stream.linear.gather [hbm4b:s20+s2], $0x40, $0x38;
	[tilespmem:$0x10400] =	vst v63  }
0x43: {  	s1 =	simm.s32 $0x640;
	s0 =	spop (v2sf);
	s19 =	sadd.s32 s3, s19  }
0x44: {  	(v2sf) =	vpush v2, $0xE;
	[tilespmem:s1], [sflag:$0x1] =	stream.strided.gather [hbm4b:s19+s12], $0x0, s13, s12, $0x38;
	[tilespmem:$0x10400] =	vst v63  }
0x45: {  	s20 =	sand.u32 $0x1FFFFFF0, s0  }
0x46: {  	[tilespmem:s1], [sflag:$0x1] =	stream.linear.gather [hbm4b:s19+s2], $0x40, $0x38;
	[tilespmem:$0x10400] =	vst v63  }
0x47: {  	s22 =	simm.s32 $0x680;
	s21 =	spop (v2sf);
	s20 =	sadd.s32 s3, s20  }
0x48: {  	(v2sf) =	vpush v2, $0xF;
	[tilespmem:s22], [sflag:$0x1] =	stream.strided.gather [hbm4b:s20+s12], $0x0, s13, s12, $0x38;
	[tilespmem:$0x10400] =	vst v63  }
0x49: {  	s19 =	sand.u32 $0x1FFFFFF0, s21  }
0x4a: {  	[tilespmem:s22], [sflag:$0x1] =	stream.linear.gather [hbm4b:s20+s2], $0x40, $0x38;
	[tilespmem:$0x10400] =	vst v63  }
0x4b: {  	s24 =	simm.s32 $0x6C0;
	s23 =	spop (v2sf);
	s19 =	sadd.s32 s3, s19  }
0x4c: {  	[tilespmem:s24], [sflag:$0x1] =	stream.strided.gather [hbm4b:s19+s12], $0x0, s13, s12, $0x38;
	[tilespmem:$0x10400] =	vst v63  }
0x4d: {  	s20 =	sand.u32 $0x1FFFFFF0, s23  }
0x4e: {  	[tilespmem:s24], [sflag:$0x1] =	stream.linear.gather [hbm4b:s19+s2], $0x40, $0x38;
	[tilespmem:$0x10400] =	vst v63  }
0x4f: {  	s26 =	simm.s32 $0x700;
	s25 =	spop (v2sf);
	s20 =	sadd.s32 s3, s20  }
0x50: {  	[tilespmem:s26], [sflag:$0x1] =	stream.strided.gather [hbm4b:s20+s12], $0x0, s13, s12, $0x38;
	[tilespmem:$0x10400] =	vst v63  }
0x51: {  	s19 =	sand.u32 $0x1FFFFFF0, s25  }
0x52: {  	[tilespmem:s26], [sflag:$0x1] =	stream.linear.gather [hbm4b:s20+s2], $0x40, $0x38;
	[tilespmem:$0x10400] =	vst v63  }
0x53: {  	s29 =	simm.s32 $0x740;
	s28 =	spop (v2sf);
	s19 =	sadd.s32 s3, s19  }
0x54: {  	[tilespmem:s29], [sflag:$0x1] =	stream.strided.gather [hbm4b:s19+s12], $0x0, s13, s12, $0x38;
	[tilespmem:$0x10400] =	vst v63  }
0x55: {  	s20 =	sand.u32 $0x1FFFFFF0, s28  }
0x56: {  	[tilespmem:s29], [sflag:$0x1] =	stream.linear.gather [hbm4b:s19+s2], $0x40, $0x38;
	[tilespmem:$0x10400] =	vst v63  }
0x57: {  	s31 =	simm.s32 $0x780;
	s30 =	spop (v2sf);
	s20 =	sadd.s32 s3, s20  }
0x58: {  	[tilespmem:s31], [sflag:$0x1] =	stream.strided.gather [hbm4b:s20+s12], $0x0, s13, s12, $0x38;
	[tilespmem:$0x10400] =	vst v63  }
0x59: {  	s21 =	simm.s32 $0x0;
	s22 =	simm.s32 $0x7C0;
	s19 =	sand.u32 $0x1FFFFFF0, s30  }
0x5a: {  	[tilespmem:s31], [sflag:$0x1] =	stream.linear.gather [hbm4b:s20+s2], $0x40, $0x38;
	[tilespmem:$0x10400] =	vst v63  }
0x5b: {  	s23 =	sadd.s32 s3, s19;
	s19 =	simm.s32 $0x1000;
	s20 =	simm.s32 $0x0  }
0x5c: {  	[tilespmem:s22], [sflag:$0x1] =	stream.strided.gather [hbm4b:s23+s12], $0x0, s13, s12, $0x38;
	[tilespmem:$0x10400] =	vst v63  }
.LBB2_2:
0x5d: {  	p0 =	sne.s32 s19, $0x1F000  }
0x5e: {  	s20 =	sadd.s32 $0x10, s20;
	s24 =	smov.u32 s19;
	s19 =	sadd.s32 $0x1000, s19  }
0x5f: {  	[tilespmem:s22], [sflag:$0x1] =	stream.linear.gather [hbm4b:s23+s21], $0x40, $0x38;
	[tilespmem:$0x10400] =	vst v63  }
0x60: {  	v2 =	vld [tilespmem:s20+$0x0];
	_ =	sdelay $0x4  }
0x61: {  	v2 =	vshll.u32 v2, $0x4  }
0x62: {  	(v2sf) =	vpush v2, $0x0  }
0x63: {  	(v2sf) =	vpush v2, $0x1  }
0x64: {  	(v2sf) =	vpush v2, $0x2;
	_ =	sdelay $0x2  }
0x65: {  	(v2sf) =	vpush v2, $0x3;
	_ =	sdelay $0x1  }
0x66: {  	(v2sf) =	vpush v2, $0x4;
	_ =	sdelay $0x1  }
0x67: {  	(v2sf) =	vpush v2, $0x5;
	_ =	sdelay $0x1  }
0x68: {  	(v2sf) =	vpush v2, $0x6;
	_ =	sdelay $0x1  }
0x69: {  	(v2sf) =	vpush v2, $0x7;
	_ =	sdelay $0x1  }
0x6a: {  	s21 =	simm.s32 $0x0;
	s23 =	spop (v2sf);
	(v2sf) =	vpush v2, $0x8  }
0x6b: {  	s22 =	sshra.s32 s24, $0x2;
	s23 =	sand.u32 $0x1FFFFFF0, s23;
	s24 =	spop (v2sf)  }
0x6c: {  	s25 =	sadd.s32 $0x440, s22;
	s23 =	sadd.s32 s3, s23;
	s26 =	spop (v2sf);
	(v2sf) =	vpush v2, $0x9  }
0x6d: {  	s28 =	sadd.s32 $0x400, s22;
	s24 =	sand.u32 $0x1FFFFFF0, s24;
	s26 =	sand.u32 $0x1FFFFFF0, s26  }
0x6e: {  	[tilespmem:s28], [sflag:$0x1] =	stream.strided.gather [hbm4b:s23+s12], $0x0, s13, s12, $0x38;
	(v2sf) =	vpush v2, $0xA;
	[tilespmem:$0x10400] =	vst v63  }
0x6f: {  	s29 =	spop (v2sf)  }
0x70: {  	[tilespmem:s28], [sflag:$0x1] =	stream.linear.gather [hbm4b:s23+s21], $0x40, $0x38;
	(v2sf) =	vpush v2, $0xB;
	[tilespmem:$0x10400] =	vst v63  }
0x71: {  	s23 =	sadd.s32 s3, s24;
	s24 =	sand.u32 $0x1FFFFFF0, s29;
	s28 =	spop (v2sf)  }
0x72: {  	[tilespmem:s25], [sflag:$0x1] =	stream.strided.gather [hbm4b:s23+s12], $0x0, s13, s12, $0x38;
	(v2sf) =	vpush v2, $0xC;
	[tilespmem:$0x10400] =	vst v63  }
0x73: {  	s29 =	sadd.s32 $0x480, s22;
	s28 =	sand.u32 $0x1FFFFFF0, s28;
	s30 =	spop (v2sf)  }
0x74: {  	[tilespmem:s25], [sflag:$0x1] =	stream.linear.gather [hbm4b:s23+s21], $0x40, $0x38;
	[tilespmem:$0x10400] =	vst v63  }
0x75: {  	s23 =	sadd.s32 s3, s26;
	s25 =	sand.u32 $0x1FFFFFF0, s30;
	s26 =	spop (v2sf)  }
0x76: {  	[tilespmem:s29], [sflag:$0x1] =	stream.strided.gather [hbm4b:s23+s12], $0x0, s13, s12, $0x38;
	(v2sf) =	vpush v2, $0xD;
	[tilespmem:$0x10400] =	vst v63  }
0x77: {  	s30 =	sadd.s32 $0x4C0, s22;
	s26 =	sand.u32 $0x1FFFFFF0, s26;
	s31 =	spop (v2sf)  }
0x78: {  	[tilespmem:s29], [sflag:$0x1] =	stream.linear.gather [hbm4b:s23+s21], $0x40, $0x38;
	[tilespmem:$0x10400] =	vst v63  }
0x79: {  	s23 =	sadd.s32 s3, s24;
	s24 =	sand.u32 $0x1FFFFFF0, s31;
	s29 =	spop (v2sf)  }
0x7a: {  	[tilespmem:s30], [sflag:$0x1] =	stream.strided.gather [hbm4b:s23+s12], $0x0, s13, s12, $0x38;
	(v2sf) =	vpush v2, $0xE;
	[tilespmem:$0x10400] =	vst v63  }
0x7b: {  	s31 =	sadd.s32 $0x500, s22;
	s29 =	sand.u32 $0x1FFFFFF0, s29;
	s0 =	spop (v2sf)  }
0x7c: {  	[tilespmem:s30], [sflag:$0x1] =	stream.linear.gather [hbm4b:s23+s21], $0x40, $0x38;
	[tilespmem:$0x10400] =	vst v63  }
0x7d: {  	s23 =	sadd.s32 s3, s28;
	s0 =	sand.u32 $0x1FFFFFF0, s0;
	s28 =	spop (v2sf)  }
0x7e: {  	[tilespmem:s31], [sflag:$0x1] =	stream.strided.gather [hbm4b:s23+s12], $0x0, s13, s12, $0x38;
	(v2sf) =	vpush v2, $0xF;
	[tilespmem:$0x10400] =	vst v63  }
0x7f: {  	s30 =	sadd.s32 $0x540, s22;
	s28 =	sand.u32 $0x1FFFFFF0, s28;
	s1 =	spop (v2sf)  }
0x80: {  	[tilespmem:s31], [sflag:$0x1] =	stream.linear.gather [hbm4b:s23+s21], $0x40, $0x38;
	[tilespmem:$0x10400] =	vst v63  }
0x81: {  	s23 =	sadd.s32 s3, s25;
	s1 =	sand.u32 $0x1FFFFFF0, s1;
	s25 =	spop (v2sf)  }
0x82: {  	[tilespmem:s30], [sflag:$0x1] =	stream.strided.gather [hbm4b:s23+s12], $0x0, s13, s12, $0x38;
	[tilespmem:$0x10400] =	vst v63  }
0x83: {  	s26 =	sadd.s32 s3, s26;
	s31 =	sadd.s32 $0x580, s22;
	s25 =	sand.u32 $0x1FFFFFF0, s25  }
0x84: {  	[tilespmem:s30], [sflag:$0x1] =	stream.linear.gather [hbm4b:s23+s21], $0x40, $0x38;
	[tilespmem:$0x10400] =	vst v63  }
0x85: {  	s23 =	spop (v2sf)  }
0x86: {  	[tilespmem:s31], [sflag:$0x1] =	stream.strided.gather [hbm4b:s26+s12], $0x0, s13, s12, $0x38;
	[tilespmem:$0x10400] =	vst v63  }
0x87: {  	s24 =	sadd.s32 s3, s24;
	s30 =	sadd.s32 $0x5C0, s22;
	s23 =	sand.u32 $0x1FFFFFF0, s23  }
0x88: {  	[tilespmem:s31], [sflag:$0x1] =	stream.linear.gather [hbm4b:s26+s21], $0x40, $0x38;
	[tilespmem:$0x10400] =	vst v63  }
0x89: {  	s26 =	spop (v2sf)  }
0x8a: {  	[tilespmem:s30], [sflag:$0x1] =	stream.strided.gather [hbm4b:s24+s12], $0x0, s13, s12, $0x38;
	[tilespmem:$0x10400] =	vst v63  }
0x8b: {  	s29 =	sadd.s32 s3, s29;
	s31 =	sadd.s32 $0x600, s22;
	s26 =	sand.u32 $0x1FFFFFF0, s26  }
0x8c: {  	[tilespmem:s30], [sflag:$0x1] =	stream.linear.gather [hbm4b:s24+s21], $0x40, $0x38;
	[tilespmem:$0x10400] =	vst v63  }
0x8d: {  	s24 =	spop (v2sf)  }
0x8e: {  	[tilespmem:s31], [sflag:$0x1] =	stream.strided.gather [hbm4b:s29+s12], $0x0, s13, s12, $0x38;
	[tilespmem:$0x10400] =	vst v63  }
0x8f: {  	s0 =	sadd.s32 s3, s0;
	s30 =	sadd.s32 $0x640, s22;
	s24 =	sand.u32 $0x1FFFFFF0, s24  }
0x90: {  	[tilespmem:s31], [sflag:$0x1] =	stream.linear.gather [hbm4b:s29+s21], $0x40, $0x38;
	[tilespmem:$0x10400] =	vst v63  }
0x91: {  	_ = 	snop  }
0x92: {  	[tilespmem:s30], [sflag:$0x1] =	stream.strided.gather [hbm4b:s0+s12], $0x0, s13, s12, $0x38;
	[tilespmem:$0x10400] =	vst v63  }
0x93: {  	s28 =	sadd.s32 s3, s28;
	s29 =	sadd.s32 $0x680, s22  }
0x94: {  	[tilespmem:s30], [sflag:$0x1] =	stream.linear.gather [hbm4b:s0+s21], $0x40, $0x38;
	[tilespmem:$0x10400] =	vst v63  }
0x95: {  	_ = 	snop  }
0x96: {  	[tilespmem:s29], [sflag:$0x1] =	stream.strided.gather [hbm4b:s28+s12], $0x0, s13, s12, $0x38;
	[tilespmem:$0x10400] =	vst v63  }
0x97: {  	s1 =	sadd.s32 s3, s1;
	s0 =	sadd.s32 $0x6C0, s22  }
0x98: {  	[tilespmem:s29], [sflag:$0x1] =	stream.linear.gather [hbm4b:s28+s21], $0x40, $0x38;
	[tilespmem:$0x10400] =	vst v63  }
0x99: {  	_ = 	snop  }
0x9a: {  	[tilespmem:s0], [sflag:$0x1] =	stream.strided.gather [hbm4b:s1+s12], $0x0, s13, s12, $0x38;
	[tilespmem:$0x10400] =	vst v63  }
0x9b: {  	s25 =	sadd.s32 s3, s25;
	s28 =	sadd.s32 $0x700, s22  }
0x9c: {  	[tilespmem:s0], [sflag:$0x1] =	stream.linear.gather [hbm4b:s1+s21], $0x40, $0x38;
	[tilespmem:$0x10400] =	vst v63  }
0x9d: {  	_ = 	snop  }
0x9e: {  	[tilespmem:s28], [sflag:$0x1] =	stream.strided.gather [hbm4b:s25+s12], $0x0, s13, s12, $0x38;
	[tilespmem:$0x10400] =	vst v63  }
0x9f: {  	s0 =	sadd.s32 $0x740, s22;
	s1 =	sadd.s32 s3, s23  }
0xa0: {  	[tilespmem:s28], [sflag:$0x1] =	stream.linear.gather [hbm4b:s25+s21], $0x40, $0x38;
	[tilespmem:$0x10400] =	vst v63  }
0xa1: {  	_ = 	snop  }
0xa2: {  	[tilespmem:s0], [sflag:$0x1] =	stream.strided.gather [hbm4b:s1+s12], $0x0, s13, s12, $0x38;
	[tilespmem:$0x10400] =	vst v63  }
0xa3: {  	s26 =	sadd.s32 s3, s26;
	s25 =	sadd.s32 $0x780, s22  }
0xa4: {  	[tilespmem:s0], [sflag:$0x1] =	stream.linear.gather [hbm4b:s1+s21], $0x40, $0x38;
	[tilespmem:$0x10400] =	vst v63  }
0xa5: {  	_ = 	snop  }
0xa6: {  	[tilespmem:s25], [sflag:$0x1] =	stream.strided.gather [hbm4b:s26+s12], $0x0, s13, s12, $0x38;
	[tilespmem:$0x10400] =	vst v63  }
.Ltmp0:
0xa7: {  	_ = 	snop;
	(pc) =	sbr.rel @p0 .LBB2_2-.Ltmp0, $4  }
0xa8: {  	s23 =	sadd.s32 s3, s24;
	s22 =	sadd.s32 $0x7C0, s22  }
0xa9: {  	[tilespmem:s25], [sflag:$0x1] =	stream.linear.gather [hbm4b:s26+s21], $0x40, $0x38;
	[tilespmem:$0x10400] =	vst v63  }
0xaa: {  	_ = 	snop  }
0xab: {  	[tilespmem:s22], [sflag:$0x1] =	stream.strided.gather [hbm4b:s23+s12], $0x0, s13, s12, $0x38;
	[tilespmem:$0x10400] =	vst v63  }
0xac: {  	[tilespmem:s22], [sflag:$0x1] =	stream.linear.gather [hbm4b:s23+s21], $0x40, $0x38;
	[tilespmem:$0x10400] =	vst v63  }
0xad: {  	s19 =	simm.s32 $0x200  }
0xae: {  	v2 =	vld [tilespmem:s19+$0x0];
	_ =	sdelay $0x4  }
0xaf: {  	v2 =	vshll.u32 v2, $0x4  }
0xb0: {  	(v2sf) =	vpush v2, $0x0;
	_ =	sdelay $0x1  }
0xb1: {  	(v2sf) =	vpush v2, $0x1;
	_ =	sdelay $0x3  }
0xb2: {  	(v2sf) =	vpush v2, $0x2;
	_ =	sdelay $0x3  }
0xb3: {  	(v2sf) =	vpush v2, $0x3;
	_ =	sdelay $0x3  }
0xb4: {  	(v2sf) =	vpush v2, $0x4  }
0xb5: {  	s0 =	spop (v2sf)  }
0xb6: {  	s0 =	sand.u32 $0x1FFFFFF0, s0  }
0xb7: {  	s20 =	simm.s32 $0x8400;
	s1 =	spop (v2sf);
	s0 =	sadd.s32 s4, s0  }
0xb8: {  	(v2sf) =	vpush v2, $0x5;
	[tilespmem:s20], [sflag:$0x2] =	stream.strided.gather [hbm4b:s0+s12], $0x0, s13, s12, $0x38;
	[tilespmem:$0x10400] =	vst v63  }
0xb9: {  	s1 =	sand.u32 $0x1FFFFFF0, s1  }
0xba: {  	[tilespmem:s20], [sflag:$0x2] =	stream.linear.gather [hbm4b:s0+s2], $0x40, $0x38;
	[tilespmem:$0x10400] =	vst v63  }
0xbb: {  	s23 =	simm.s32 $0x8440;
	s24 =	spop (v2sf);
	s1 =	sadd.s32 s4, s1  }
0xbc: {  	(v2sf) =	vpush v2, $0x6;
	[tilespmem:s23], [sflag:$0x2] =	stream.strided.gather [hbm4b:s1+s12], $0x0, s13, s12, $0x38;
	[tilespmem:$0x10400] =	vst v63  }
0xbd: {  	s20 =	sand.u32 $0x1FFFFFF0, s24  }
0xbe: {  	[tilespmem:s23], [sflag:$0x2] =	stream.linear.gather [hbm4b:s1+s2], $0x40, $0x38;
	[tilespmem:$0x10400] =	vst v63  }
0xbf: {  	s26 =	simm.s32 $0x8480;
	s25 =	spop (v2sf);
	s20 =	sadd.s32 s4, s20  }
0xc0: {  	(v2sf) =	vpush v2, $0x7;
	[tilespmem:s26], [sflag:$0x2] =	stream.strided.gather [hbm4b:s20+s12], $0x0, s13, s12, $0x38;
	[tilespmem:$0x10400] =	vst v63  }
0xc1: {  	s0 =	sand.u32 $0x1FFFFFF0, s25  }
0xc2: {  	[tilespmem:s26], [sflag:$0x2] =	stream.linear.gather [hbm4b:s20+s2], $0x40, $0x38;
	[tilespmem:$0x10400] =	vst v63  }
0xc3: {  	s29 =	simm.s32 $0x84C0;
	s28 =	spop (v2sf);
	s0 =	sadd.s32 s4, s0  }
0xc4: {  	(v2sf) =	vpush v2, $0x8;
	[tilespmem:s29], [sflag:$0x2] =	stream.strided.gather [hbm4b:s0+s12], $0x0, s13, s12, $0x38;
	[tilespmem:$0x10400] =	vst v63  }
0xc5: {  	s1 =	sand.u32 $0x1FFFFFF0, s28  }
0xc6: {  	[tilespmem:s29], [sflag:$0x2] =	stream.linear.gather [hbm4b:s0+s2], $0x40, $0x38;
	[tilespmem:$0x10400] =	vst v63  }
0xc7: {  	s31 =	simm.s32 $0x8500;
	s1 =	sadd.s32 s4, s1;
	s30 =	spop (v2sf)  }
0xc8: {  	(v2sf) =	vpush v2, $0x9;
	[tilespmem:s31], [sflag:$0x2] =	stream.strided.gather [hbm4b:s1+s12], $0x0, s13, s12, $0x38;
	[tilespmem:$0x10400] =	vst v63  }
0xc9: {  	s0 =	sand.u32 $0x1FFFFFF0, s30  }
0xca: {  	[tilespmem:s31], [sflag:$0x2] =	stream.linear.gather [hbm4b:s1+s2], $0x40, $0x38;
	[tilespmem:$0x10400] =	vst v63  }
0xcb: {  	s22 =	simm.s32 $0x8540;
	s21 =	spop (v2sf);
	s0 =	sadd.s32 s4, s0  }
0xcc: {  	(v2sf) =	vpush v2, $0xA;
	[tilespmem:s22], [sflag:$0x2] =	stream.strided.gather [hbm4b:s0+s12], $0x0, s13, s12, $0x38;
	[tilespmem:$0x10400] =	vst v63  }
0xcd: {  	s1 =	sand.u32 $0x1FFFFFF0, s21  }
0xce: {  	[tilespmem:s22], [sflag:$0x2] =	stream.linear.gather [hbm4b:s0+s2], $0x40, $0x38;
	[tilespmem:$0x10400] =	vst v63  }
0xcf: {  	s24 =	simm.s32 $0x8580;
	s23 =	spop (v2sf);
	s1 =	sadd.s32 s4, s1  }
0xd0: {  	(v2sf) =	vpush v2, $0xB;
	[tilespmem:s24], [sflag:$0x2] =	stream.strided.gather [hbm4b:s1+s12], $0x0, s13, s12, $0x38;
	[tilespmem:$0x10400] =	vst v63  }
0xd1: {  	s0 =	sand.u32 $0x1FFFFFF0, s23  }
0xd2: {  	[tilespmem:s24], [sflag:$0x2] =	stream.linear.gather [hbm4b:s1+s2], $0x40, $0x38;
	[tilespmem:$0x10400] =	vst v63  }
0xd3: {  	s26 =	simm.s32 $0x85C0;
	s25 =	spop (v2sf);
	s0 =	sadd.s32 s4, s0  }
0xd4: {  	(v2sf) =	vpush v2, $0xC;
	[tilespmem:s26], [sflag:$0x2] =	stream.strided.gather [hbm4b:s0+s12], $0x0, s13, s12, $0x38;
	[tilespmem:$0x10400] =	vst v63  }
0xd5: {  	s1 =	sand.u32 $0x1FFFFFF0, s25  }
0xd6: {  	[tilespmem:s26], [sflag:$0x2] =	stream.linear.gather [hbm4b:s0+s2], $0x40, $0x38;
	[tilespmem:$0x10400] =	vst v63  }
0xd7: {  	s29 =	simm.s32 $0x8600;
	s28 =	spop (v2sf);
	s1 =	sadd.s32 s4, s1  }
0xd8: {  	(v2sf) =	vpush v2, $0xD;
	[tilespmem:s29], [sflag:$0x2] =	stream.strided.gather [hbm4b:s1+s12], $0x0, s13, s12, $0x38;
	[tilespmem:$0x10400] =	vst v63  }
0xd9: {  	s0 =	sand.u32 $0x1FFFFFF0, s28  }
0xda: {  	[tilespmem:s29], [sflag:$0x2] =	stream.linear.gather [hbm4b:s1+s2], $0x40, $0x38;
	[tilespmem:$0x10400] =	vst v63  }
0xdb: {  	s31 =	simm.s32 $0x8640;
	s30 =	spop (v2sf);
	s0 =	sadd.s32 s4, s0  }
0xdc: {  	(v2sf) =	vpush v2, $0xE;
	[tilespmem:s31], [sflag:$0x2] =	stream.strided.gather [hbm4b:s0+s12], $0x0, s13, s12, $0x38;
	[tilespmem:$0x10400] =	vst v63  }
0xdd: {  	s1 =	sand.u32 $0x1FFFFFF0, s30  }
0xde: {  	[tilespmem:s31], [sflag:$0x2] =	stream.linear.gather [hbm4b:s0+s2], $0x40, $0x38;
	[tilespmem:$0x10400] =	vst v63  }
0xdf: {  	s22 =	simm.s32 $0x8680;
	s21 =	spop (v2sf);
	s1 =	sadd.s32 s4, s1  }
0xe0: {  	(v2sf) =	vpush v2, $0xF;
	[tilespmem:s22], [sflag:$0x2] =	stream.strided.gather [hbm4b:s1+s12], $0x0, s13, s12, $0x38;
	[tilespmem:$0x10400] =	vst v63  }
0xe1: {  	s0 =	sand.u32 $0x1FFFFFF0, s21  }
0xe2: {  	[tilespmem:s22], [sflag:$0x2] =	stream.linear.gather [hbm4b:s1+s2], $0x40, $0x38;
	[tilespmem:$0x10400] =	vst v63  }
0xe3: {  	s24 =	simm.s32 $0x86C0;
	s23 =	spop (v2sf);
	s0 =	sadd.s32 s4, s0  }
0xe4: {  	[tilespmem:s24], [sflag:$0x2] =	stream.strided.gather [hbm4b:s0+s12], $0x0, s13, s12, $0x38;
	[tilespmem:$0x10400] =	vst v63  }
0xe5: {  	s1 =	sand.u32 $0x1FFFFFF0, s23  }
0xe6: {  	[tilespmem:s24], [sflag:$0x2] =	stream.linear.gather [hbm4b:s0+s2], $0x40, $0x38;
	[tilespmem:$0x10400] =	vst v63  }
0xe7: {  	s26 =	simm.s32 $0x8700;
	s25 =	spop (v2sf);
	s1 =	sadd.s32 s4, s1  }
0xe8: {  	[tilespmem:s26], [sflag:$0x2] =	stream.strided.gather [hbm4b:s1+s12], $0x0, s13, s12, $0x38;
	[tilespmem:$0x10400] =	vst v63  }
0xe9: {  	s0 =	sand.u32 $0x1FFFFFF0, s25  }
0xea: {  	[tilespmem:s26], [sflag:$0x2] =	stream.linear.gather [hbm4b:s1+s2], $0x40, $0x38;
	[tilespmem:$0x10400] =	vst v63  }
0xeb: {  	s29 =	simm.s32 $0x8740;
	s28 =	spop (v2sf);
	s0 =	sadd.s32 s4, s0  }
0xec: {  	[tilespmem:s29], [sflag:$0x2] =	stream.strided.gather [hbm4b:s0+s12], $0x0, s13, s12, $0x38;
	[tilespmem:$0x10400] =	vst v63  }
0xed: {  	s1 =	sand.u32 $0x1FFFFFF0, s28  }
0xee: {  	[tilespmem:s29], [sflag:$0x2] =	stream.linear.gather [hbm4b:s0+s2], $0x40, $0x38;
	[tilespmem:$0x10400] =	vst v63  }
0xef: {  	s31 =	simm.s32 $0x8780;
	s30 =	spop (v2sf);
	s1 =	sadd.s32 s4, s1  }
0xf0: {  	[tilespmem:s31], [sflag:$0x2] =	stream.strided.gather [hbm4b:s1+s12], $0x0, s13, s12, $0x38;
	[tilespmem:$0x10400] =	vst v63  }
0xf1: {  	s0 =	sand.u32 $0x1FFFFFF0, s30  }
0xf2: {  	[tilespmem:s31], [sflag:$0x2] =	stream.linear.gather [hbm4b:s1+s2], $0x40, $0x38;
	[tilespmem:$0x10400] =	vst v63  }
0xf3: {  	s20 =	simm.s32 $0x1000;
	s21 =	simm.s32 $0x87C0;
	s22 =	sadd.s32 s4, s0  }
0xf4: {  	[tilespmem:s21], [sflag:$0x2] =	stream.strided.gather [hbm4b:s22+s12], $0x0, s13, s12, $0x38;
	[tilespmem:$0x10400] =	vst v63  }
.LBB2_4:
0xf5: {  	p0 =	sne.s32 s20, $0x1F000  }
0xf6: {  	s19 =	sadd.s32 $0x10, s19;
	s0 =	smov.u32 s20;
	s20 =	sadd.s32 $0x1000, s20  }
0xf7: {  	[tilespmem:s21], [sflag:$0x2] =	stream.linear.gather [hbm4b:s22+s2], $0x40, $0x38;
	[tilespmem:$0x10400] =	vst v63  }
0xf8: {  	v2 =	vld [tilespmem:s19+$0x0];
	_ =	sdelay $0x4  }
0xf9: {  	v2 =	vshll.u32 v2, $0x4  }
0xfa: {  	(v2sf) =	vpush v2, $0x0  }
0xfb: {  	(v2sf) =	vpush v2, $0x1  }
0xfc: {  	(v2sf) =	vpush v2, $0x2;
	_ =	sdelay $0x2  }
0xfd: {  	(v2sf) =	vpush v2, $0x3;
	_ =	sdelay $0x1  }
0xfe: {  	(v2sf) =	vpush v2, $0x4;
	_ =	sdelay $0x1  }
0xff: {  	(v2sf) =	vpush v2, $0x5;
	_ =	sdelay $0x1  }
0x100: {  	(v2sf) =	vpush v2, $0x6;
	_ =	sdelay $0x1  }
0x101: {  	(v2sf) =	vpush v2, $0x7;
	_ =	sdelay $0x1  }
0x102: {  	s1 =	spop (v2sf);
	(v2sf) =	vpush v2, $0x8  }
0x103: {  	s21 =	sshra.s32 s0, $0x2;
	s0 =	sand.u32 $0x1FFFFFF0, s1;
	s1 =	spop (v2sf)  }
0x104: {  	s22 =	sadd.s32 $0x8440, s21;
	s0 =	sadd.s32 s4, s0;
	s23 =	spop (v2sf);
	(v2sf) =	vpush v2, $0x9  }
0x105: {  	s24 =	sadd.s32 $0x8400, s21;
	s1 =	sand.u32 $0x1FFFFFF0, s1;
	s23 =	sand.u32 $0x1FFFFFF0, s23  }
0x106: {  	[tilespmem:s24], [sflag:$0x2] =	stream.strided.gather [hbm4b:s0+s12], $0x0, s13, s12, $0x38;
	(v2sf) =	vpush v2, $0xA;
	[tilespmem:$0x10400] =	vst v63  }
0x107: {  	s25 =	spop (v2sf)  }
0x108: {  	[tilespmem:s24], [sflag:$0x2] =	stream.linear.gather [hbm4b:s0+s2], $0x40, $0x38;
	(v2sf) =	vpush v2, $0xB;
	[tilespmem:$0x10400] =	vst v63  }
0x109: {  	s0 =	sadd.s32 s4, s1;
	s1 =	sand.u32 $0x1FFFFFF0, s25;
	s24 =	spop (v2sf)  }
0x10a: {  	[tilespmem:s22], [sflag:$0x2] =	stream.strided.gather [hbm4b:s0+s12], $0x0, s13, s12, $0x38;
	(v2sf) =	vpush v2, $0xC;
	[tilespmem:$0x10400] =	vst v63  }
0x10b: {  	s25 =	sadd.s32 $0x8480, s21;
	s24 =	sand.u32 $0x1FFFFFF0, s24;
	s26 =	spop (v2sf)  }
0x10c: {  	[tilespmem:s22], [sflag:$0x2] =	stream.linear.gather [hbm4b:s0+s2], $0x40, $0x38;
	[tilespmem:$0x10400] =	vst v63  }
0x10d: {  	s0 =	sadd.s32 s4, s23;
	s22 =	sand.u32 $0x1FFFFFF0, s26;
	s23 =	spop (v2sf)  }
0x10e: {  	[tilespmem:s25], [sflag:$0x2] =	stream.strided.gather [hbm4b:s0+s12], $0x0, s13, s12, $0x38;
	(v2sf) =	vpush v2, $0xD;
	[tilespmem:$0x10400] =	vst v63  }
0x10f: {  	s26 =	sadd.s32 $0x84C0, s21;
	s23 =	sand.u32 $0x1FFFFFF0, s23;
	s28 =	spop (v2sf)  }
0x110: {  	[tilespmem:s25], [sflag:$0x2] =	stream.linear.gather [hbm4b:s0+s2], $0x40, $0x38;
	[tilespmem:$0x10400] =	vst v63  }
0x111: {  	s0 =	sadd.s32 s4, s1;
	s1 =	sand.u32 $0x1FFFFFF0, s28;
	s25 =	spop (v2sf)  }
0x112: {  	[tilespmem:s26], [sflag:$0x2] =	stream.strided.gather [hbm4b:s0+s12], $0x0, s13, s12, $0x38;
	(v2sf) =	vpush v2, $0xE;
	[tilespmem:$0x10400] =	vst v63  }
0x113: {  	s28 =	sadd.s32 $0x8500, s21;
	s25 =	sand.u32 $0x1FFFFFF0, s25;
	s29 =	spop (v2sf)  }
0x114: {  	[tilespmem:s26], [sflag:$0x2] =	stream.linear.gather [hbm4b:s0+s2], $0x40, $0x38;
	[tilespmem:$0x10400] =	vst v63  }
0x115: {  	s0 =	sadd.s32 s4, s24;
	s24 =	sand.u32 $0x1FFFFFF0, s29;
	s26 =	spop (v2sf)  }
0x116: {  	[tilespmem:s28], [sflag:$0x2] =	stream.strided.gather [hbm4b:s0+s12], $0x0, s13, s12, $0x38;
	(v2sf) =	vpush v2, $0xF;
	[tilespmem:$0x10400] =	vst v63  }
0x117: {  	s29 =	sadd.s32 $0x8540, s21;
	s26 =	sand.u32 $0x1FFFFFF0, s26;
	s30 =	spop (v2sf)  }
0x118: {  	[tilespmem:s28], [sflag:$0x2] =	stream.linear.gather [hbm4b:s0+s2], $0x40, $0x38;
	[tilespmem:$0x10400] =	vst v63  }
0x119: {  	s0 =	sadd.s32 s4, s22;
	s22 =	sand.u32 $0x1FFFFFF0, s30;
	s28 =	spop (v2sf)  }
0x11a: {  	[tilespmem:s29], [sflag:$0x2] =	stream.strided.gather [hbm4b:s0+s12], $0x0, s13, s12, $0x38;
	[tilespmem:$0x10400] =	vst v63  }
0x11b: {  	s23 =	sadd.s32 s4, s23;
	s30 =	sadd.s32 $0x8580, s21;
	s28 =	sand.u32 $0x1FFFFFF0, s28  }
0x11c: {  	[tilespmem:s29], [sflag:$0x2] =	stream.linear.gather [hbm4b:s0+s2], $0x40, $0x38;
	[tilespmem:$0x10400] =	vst v63  }
0x11d: {  	s0 =	spop (v2sf)  }
0x11e: {  	[tilespmem:s30], [sflag:$0x2] =	stream.strided.gather [hbm4b:s23+s12], $0x0, s13, s12, $0x38;
	[tilespmem:$0x10400] =	vst v63  }
0x11f: {  	s1 =	sadd.s32 s4, s1;
	s29 =	sadd.s32 $0x85C0, s21;
	s0 =	sand.u32 $0x1FFFFFF0, s0  }
0x120: {  	[tilespmem:s30], [sflag:$0x2] =	stream.linear.gather [hbm4b:s23+s2], $0x40, $0x38;
	[tilespmem:$0x10400] =	vst v63  }
0x121: {  	s23 =	spop (v2sf)  }
0x122: {  	[tilespmem:s29], [sflag:$0x2] =	stream.strided.gather [hbm4b:s1+s12], $0x0, s13, s12, $0x38;
	[tilespmem:$0x10400] =	vst v63  }
0x123: {  	s25 =	sadd.s32 s4, s25;
	s30 =	sadd.s32 $0x8600, s21;
	s23 =	sand.u32 $0x1FFFFFF0, s23  }
0x124: {  	[tilespmem:s29], [sflag:$0x2] =	stream.linear.gather [hbm4b:s1+s2], $0x40, $0x38;
	[tilespmem:$0x10400] =	vst v63  }
0x125: {  	s1 =	spop (v2sf)  }
0x126: {  	[tilespmem:s30], [sflag:$0x2] =	stream.strided.gather [hbm4b:s25+s12], $0x0, s13, s12, $0x38;
	[tilespmem:$0x10400] =	vst v63  }
0x127: {  	s24 =	sadd.s32 s4, s24;
	s29 =	sadd.s32 $0x8640, s21;
	s1 =	sand.u32 $0x1FFFFFF0, s1  }
0x128: {  	[tilespmem:s30], [sflag:$0x2] =	stream.linear.gather [hbm4b:s25+s2], $0x40, $0x38;
	[tilespmem:$0x10400] =	vst v63  }
0x129: {  	_ = 	snop  }
0x12a: {  	[tilespmem:s29], [sflag:$0x2] =	stream.strided.gather [hbm4b:s24+s12], $0x0, s13, s12, $0x38;
	[tilespmem:$0x10400] =	vst v63  }
0x12b: {  	s26 =	sadd.s32 s4, s26;
	s25 =	sadd.s32 $0x8680, s21  }
0x12c: {  	[tilespmem:s29], [sflag:$0x2] =	stream.linear.gather [hbm4b:s24+s2], $0x40, $0x38;
	[tilespmem:$0x10400] =	vst v63  }
0x12d: {  	_ = 	snop  }
0x12e: {  	[tilespmem:s25], [sflag:$0x2] =	stream.strided.gather [hbm4b:s26+s12], $0x0, s13, s12, $0x38;
	[tilespmem:$0x10400] =	vst v63  }
0x12f: {  	s22 =	sadd.s32 s4, s22;
	s24 =	sadd.s32 $0x86C0, s21  }
0x130: {  	[tilespmem:s25], [sflag:$0x2] =	stream.linear.gather [hbm4b:s26+s2], $0x40, $0x38;
	[tilespmem:$0x10400] =	vst v63  }
0x131: {  	_ = 	snop  }
0x132: {  	[tilespmem:s24], [sflag:$0x2] =	stream.strided.gather [hbm4b:s22+s12], $0x0, s13, s12, $0x38;
	[tilespmem:$0x10400] =	vst v63  }
0x133: {  	s25 =	sadd.s32 $0x8700, s21;
	s26 =	sadd.s32 s4, s28  }
0x134: {  	[tilespmem:s24], [sflag:$0x2] =	stream.linear.gather [hbm4b:s22+s2], $0x40, $0x38;
	[tilespmem:$0x10400] =	vst v63  }
0x135: {  	_ = 	snop  }
0x136: {  	[tilespmem:s25], [sflag:$0x2] =	stream.strided.gather [hbm4b:s26+s12], $0x0, s13, s12, $0x38;
	[tilespmem:$0x10400] =	vst v63  }
0x137: {  	s0 =	sadd.s32 s4, s0;
	s22 =	sadd.s32 $0x8740, s21  }
0x138: {  	[tilespmem:s25], [sflag:$0x2] =	stream.linear.gather [hbm4b:s26+s2], $0x40, $0x38;
	[tilespmem:$0x10400] =	vst v63  }
0x139: {  	_ = 	snop  }
0x13a: {  	[tilespmem:s22], [sflag:$0x2] =	stream.strided.gather [hbm4b:s0+s12], $0x0, s13, s12, $0x38;
	[tilespmem:$0x10400] =	vst v63  }
0x13b: {  	s23 =	sadd.s32 s4, s23;
	s24 =	sadd.s32 $0x8780, s21  }
0x13c: {  	[tilespmem:s22], [sflag:$0x2] =	stream.linear.gather [hbm4b:s0+s2], $0x40, $0x38;
	[tilespmem:$0x10400] =	vst v63  }
0x13d: {  	_ = 	snop  }
0x13e: {  	[tilespmem:s24], [sflag:$0x2] =	stream.strided.gather [hbm4b:s23+s12], $0x0, s13, s12, $0x38;
	[tilespmem:$0x10400] =	vst v63  }
.Ltmp1:
0x13f: {  	_ = 	snop;
	(pc) =	sbr.rel @p0 .LBB2_4-.Ltmp1, $4  }
0x140: {  	s21 =	sadd.s32 $0x87C0, s21;
	s22 =	sadd.s32 s4, s1  }
0x141: {  	[tilespmem:s24], [sflag:$0x2] =	stream.linear.gather [hbm4b:s23+s2], $0x40, $0x38;
	[tilespmem:$0x10400] =	vst v63  }
0x142: {  	_ = 	snop  }
0x143: {  	[tilespmem:s21], [sflag:$0x2] =	stream.strided.gather [hbm4b:s22+s12], $0x0, s13, s12, $0x38;
	[tilespmem:$0x10400] =	vst v63  }
0x144: {  	[tilespmem:s21], [sflag:$0x2] =	stream.linear.gather [hbm4b:s22+s2], $0x40, $0x38;
	[tilespmem:$0x10400] =	vst v63  }
0x145: {  	_ =	swait.ge [sflag:s14], $0x8000  }
0x146: {  	[sflag:s14] =	ssyncset.done $0x0  }
0x147: {  	s19 =	simm.s32 $0x0;
	s20 =	simm.s32 $0x0;
	[sflag:s14] =	ssyncadd.s32 $0xFFFF8000  }
.LBB2_6:
0x148: {  	s0 =	sshll.u32 s20, $0x4  }
0x149: {  	v2 =	vmov s0  }
0x14a: {  	v2 =	vshll.u32 v2, $0x6  }
0x14b: {  	v2 =	vor.u32 v0, v2  }
0x14c: {  	v2 =	vand.u32 $0x7FFFFF80, v2  }
0x14d: {  	v2 =	vor.u32 v1, v2  }
0x14e: {  	v3 =	vor.u32 s19, v2;
	_ =	sdelay $0x1  }
0x14f: {  	s25 =	simm.s32 $0x1  }
0x150: {  	v4 =	vor.u32 s25, v2  }
0x151: {  	s26 =	simm.s32 $0x2  }
0x152: {  	v5 =	vor.u32 s26, v2;
	v3 =	vld.idx.msk [tilespmem:v3+s13+$0x0], $0xffff  }
0x153: {  	s28 =	simm.s32 $0x3  }
0x154: {  	v6 =	vor.u32 s28, v2  }
0x155: {  	s29 =	simm.s32 $0x4;
	v4 =	vld.idx.msk [tilespmem:v4+s13+$0x0], $0xffff  }
0x156: {  	v8 =	vor.u32 s29, v2  }
0x157: {  	s30 =	simm.s32 $0x5;
	v10 =	vld.idx.msk [tilespmem:v5+s13+$0x0], $0xffff;
	v5 =	vmul.f32 v3, v3  }
0x158: {  	v7 =	vimm.f32 $0.0e+00;
	s31 =	simm.s32 $0x6;
	v11 =	vor.u32 s30, v2  }
0x159: {  	v3 =	vld.idx.msk [tilespmem:v6+s13+$0x0], $0xffff;
	v9 =	vadd.f32 v5, v7;
	v7 =	vor.u32 s31, v2  }
0x15a: {  	s1 =	simm.s32 $0x7;
	v4 =	vmul.f32 v4, v4  }
0x15b: {  	v6 =	vor.u32 s1, v2;
	v5 =	vld.idx.msk [tilespmem:v8+s13+$0x0], $0xffff  }
0x15c: {  	s21 =	simm.s32 $0x8;
	v10 =	vmul.f32 v10, v10;
	v9 =	vadd.f32 v4, v9  }
0x15d: {  	s22 =	simm.s32 $0x10;
	v8 =	vor.u32 s21, v2;
	v4 =	vld.idx.msk [tilespmem:v11+s13+$0x0], $0xffff  }
.LBB2_7:
0x15e: {  	p0 =	slt.u32 s22, $0x38;
	s0 =	sadd.s32 $0x1, s21;
	v9 =	vadd.f32 v10, v9;
	v3 =	vmul.f32 v3, v3;
	v7 =	vld.idx.msk [tilespmem:v7+s13+$0x0], $0xffff  }
0x15f: {  	v10 =	vor.u32 s0, v2  }
0x160: {  	s0 =	sadd.s32 $0x2, s21;
	v5 =	vmul.f32 v5, v5;
	v3 =	vadd.f32 v3, v9;
	v6 =	vld.idx.msk [tilespmem:v6+s13+$0x0], $0xffff  }
0x161: {  	v9 =	vor.u32 s0, v2  }
0x162: {  	s0 =	sadd.s32 $0x3, s21;
	v4 =	vmul.f32 v4, v4;
	v8 =	vld.idx.msk [tilespmem:v8+s13+$0x0], $0xffff;
	v3 =	vadd.f32 v5, v3  }
0x163: {  	v5 =	vor.u32 s0, v2  }
0x164: {  	s0 =	sadd.s32 $0x4, s21;
	v10 =	vld.idx.msk [tilespmem:v10+s13+$0x0], $0xffff;
	v3 =	vadd.f32 v4, v3;
	v4 =	vmul.f32 v7, v7  }
0x165: {  	v11 =	vor.u32 s0, v2  }
0x166: {  	s0 =	sadd.s32 $0x5, s21;
	v6 =	vmul.f32 v6, v6;
	v12 =	vld.idx.msk [tilespmem:v9+s13+$0x0], $0xffff;
	v4 =	vadd.f32 v4, v3  }
0x167: {  	v13 =	vor.u32 s0, v2  }
0x168: {  	s0 =	sadd.s32 $0x6, s21;
	v8 =	vmul.f32 v8, v8;
	v3 =	vld.idx.msk [tilespmem:v5+s13+$0x0], $0xffff;
	v4 =	vadd.f32 v6, v4  }
.Ltmp2:
0x169: {  	v7 =	vor.u32 s0, v2;
	(pc) =	sbr.rel @p0 .LBB2_7-.Ltmp2, $4  }
0x16a: {  	s0 =	sadd.s32 $0x7, s21;
	s21 =	smov.u32 s22;
	v4 =	vadd.f32 v8, v4;
	v8 =	vmul.f32 v10, v10;
	v5 =	vld.idx.msk [tilespmem:v11+s13+$0x0], $0xffff  }
0x16b: {  	v6 =	vor.u32 s0, v2  }
0x16c: {  	v10 =	vmul.f32 v12, v12;
	v9 =	vadd.f32 v8, v4;
	v4 =	vld.idx.msk [tilespmem:v13+s13+$0x0], $0xffff  }
0x16d: {  	s22 =	sadd.s32 $0x8, s22;
	v8 =	vor.u32 s21, v2  }
0x16e: {  	_ =	sdelay $0x2  }
0x16f: {  	v9 =	vadd.f32 v10, v9;
	v3 =	vmul.f32 v3, v3  }
0x170: {  	s0 =	sadd.s32 $0x1, s21;
	v7 =	vld.idx.msk [tilespmem:v7+s13+$0x0], $0xffff  }
0x171: {  	v59 =	vor.u32 s0, v2;
	v5 =	vmul.f32 v5, v5;
	v3 =	vadd.f32 v3, v9  }
0x172: {  	s28 =	sadd.s32 $0x2, s21;
	v6 =	vld.idx.msk [tilespmem:v6+s13+$0x0], $0xffff  }
0x173: {  	v60 =	vor.u32 s28, v2;
	v4 =	vmul.f32 v4, v4;
	v3 =	vadd.f32 v5, v3  }
0x174: {  	s29 =	sadd.s32 $0x3, s21;
	v5 =	vld.idx.msk [tilespmem:v8+s13+$0x0], $0xffff  }
0x175: {  	v8 =	vor.u32 s29, v2;
	v3 =	vadd.f32 v4, v3;
	v4 =	vmul.f32 v7, v7  }
0x176: {  	s30 =	sadd.s32 $0x4, s21;
	v7 =	vld.idx.msk [tilespmem:v59+s13+$0x0], $0xffff  }
0x177: {  	v61 =	vor.u32 s30, v2;
	v3 =	vadd.f32 v4, v3;
	v4 =	vmul.f32 v6, v6  }
0x178: {  	s31 =	sadd.s32 $0x5, s21;
	v6 =	vld.idx.msk [tilespmem:v60+s13+$0x0], $0xffff  }
0x179: {  	v62 =	vor.u32 s31, v2;
	v5 =	vmul.f32 v5, v5;
	v3 =	vadd.f32 v4, v3  }
0x17a: {  	s1 =	sadd.s32 $0x6, s21;
	v4 =	vld.idx.msk [tilespmem:v8+s13+$0x0], $0xffff  }
0x17b: {  	v8 =	vor.u32 s1, v2;
	v3 =	vadd.f32 v5, v3;
	v5 =	vmul.f32 v7, v7  }
0x17c: {  	s22 =	sadd.s32 $0x7, s21;
	v7 =	vld.idx.msk [tilespmem:v61+s13+$0x0], $0xffff  }
0x17d: {  	v63 =	vor.u32 s22, v2;
	v3 =	vadd.f32 v5, v3;
	v5 =	vmul.f32 v6, v6  }
0x17e: {  	v6 =	vld.idx.msk [tilespmem:v62+s13+$0x0], $0xffff  }
0x17f: {  	v4 =	vmul.f32 v4, v4;
	v3 =	vadd.f32 v5, v3  }
0x180: {  	v5 =	vld.idx.msk [tilespmem:v8+s13+$0x0], $0xffff  }
0x181: {  	v3 =	vadd.f32 v4, v3;
	v4 =	vmul.f32 v7, v7  }
0x182: {  	v7 =	vld.idx.msk [tilespmem:v63+s13+$0x0], $0xffff  }
0x183: {  	v3 =	vadd.f32 v4, v3;
	v4 =	vmul.f32 v6, v6;
	_ =	sdelay $0x1  }
0x184: {  	v3 =	vadd.f32 v4, v3;
	v4 =	vmul.f32 v5, v5;
	_ =	sdelay $0x1  }
0x185: {  	v3 =	vadd.f32 v4, v3;
	v4 =	vmul.f32 v7, v7;
	_ =	sdelay $0x1  }
0x186: {  	v3 =	vadd.f32 v4, v3;
	_ =	sdelay $0x1  }
0x187: {  	v4 =	vshrl.u32 v3, $0x1;
	v3 =	vmul.f32 $5.000000000e-01, v3  }
0x188: {  	v4 =	vsub.s32 $0x5F3759DF, v4  }
0x189: {  	v5 =	vmul.f32 v4, v3;
	_ =	sdelay $0x1  }
0x18a: {  	v5 =	vmul.f32 v4, v5;
	_ =	sdelay $0x1  }
0x18b: {  	v5 =	vsub.f32 $1.500000000e+00, v5;
	_ =	sdelay $0x1  }
0x18c: {  	v4 =	vmul.f32 v4, v5;
	_ =	sdelay $0x1  }
0x18d: {  	v5 =	vmul.f32 v4, v3;
	_ =	sdelay $0x1  }
0x18e: {  	v5 =	vmul.f32 v5, v4;
	_ =	sdelay $0x1  }
0x18f: {  	v5 =	vsub.f32 $1.500000000e+00, v5  }
0x190: {  	s23 =	simm.s32 $0x0  }
0x191: {  	v4 =	vmul.f32 v5, v4;
	v5 =	vor.u32 s23, v2;
	_ =	sdelay $0x1  }
0x192: {  	v3 =	vmul.f32 v4, v3;
	_ =	sdelay $0x1  }
0x193: {  	v3 =	vmul.f32 v3, v4  }
0x194: {  	v6 =	vld.idx.msk [tilespmem:v5+s13+$0x0], $0xffff  }
0x195: {  	v3 =	vsub.f32 $1.500000000e+00, v3  }
0x196: {  	s24 =	simm.s32 $0x1  }
0x197: {  	v3 =	vmul.f32 v3, v4;
	v4 =	vor.u32 s24, v2;
	_ =	sdelay $0x1  }
0x198: {  	v6 =	vmul.f32 v6, v3;
	_ =	sdelay $0x1  }
0x199: {  	[tilespmem:v5+s13+$0x0] =	vst.idx.msk $0xffff, v6  }
0x19a: {  	v5 =	vld.idx.msk [tilespmem:v4+s13+$0x0], $0xffff;
	_ =	sdelay $0x1  }
0x19b: {  	s25 =	simm.s32 $0x2  }
0x19c: {  	v6 =	vor.u32 s25, v2;
	_ =	sdelay $0x1  }
0x19d: {  	v5 =	vmul.f32 v5, v3;
	_ =	sdelay $0x1  }
0x19e: {  	[tilespmem:v4+s13+$0x0] =	vst.idx.msk $0xffff, v5  }
0x19f: {  	v4 =	vld.idx.msk [tilespmem:v6+s13+$0x0], $0xffff;
	_ =	sdelay $0x1  }
0x1a0: {  	s26 =	simm.s32 $0x3  }
0x1a1: {  	v5 =	vor.u32 s26, v2;
	_ =	sdelay $0x1  }
0x1a2: {  	v4 =	vmul.f32 v4, v3;
	_ =	sdelay $0x1  }
0x1a3: {  	[tilespmem:v6+s13+$0x0] =	vst.idx.msk $0xffff, v4  }
0x1a4: {  	v4 =	vld.idx.msk [tilespmem:v5+s13+$0x0], $0xffff;
	_ =	sdelay $0x1  }
0x1a5: {  	s28 =	simm.s32 $0x4  }
0x1a6: {  	v6 =	vor.u32 s28, v2;
	_ =	sdelay $0x1  }
0x1a7: {  	v4 =	vmul.f32 v4, v3;
	_ =	sdelay $0x1  }
0x1a8: {  	[tilespmem:v5+s13+$0x0] =	vst.idx.msk $0xffff, v4  }
0x1a9: {  	v4 =	vld.idx.msk [tilespmem:v6+s13+$0x0], $0xffff;
	_ =	sdelay $0x1  }
0x1aa: {  	s29 =	simm.s32 $0x5  }
0x1ab: {  	v5 =	vor.u32 s29, v2;
	_ =	sdelay $0x1  }
0x1ac: {  	v4 =	vmul.f32 v4, v3;
	_ =	sdelay $0x1  }
0x1ad: {  	[tilespmem:v6+s13+$0x0] =	vst.idx.msk $0xffff, v4  }
0x1ae: {  	v4 =	vld.idx.msk [tilespmem:v5+s13+$0x0], $0xffff;
	_ =	sdelay $0x1  }
0x1af: {  	s30 =	simm.s32 $0x6  }
0x1b0: {  	v6 =	vor.u32 s30, v2;
	_ =	sdelay $0x1  }
0x1b1: {  	v4 =	vmul.f32 v4, v3;
	_ =	sdelay $0x1  }
0x1b2: {  	[tilespmem:v5+s13+$0x0] =	vst.idx.msk $0xffff, v4  }
0x1b3: {  	v4 =	vld.idx.msk [tilespmem:v6+s13+$0x0], $0xffff;
	_ =	sdelay $0x1  }
0x1b4: {  	s31 =	simm.s32 $0x7  }
0x1b5: {  	v5 =	vor.u32 s31, v2;
	_ =	sdelay $0x1  }
0x1b6: {  	v4 =	vmul.f32 v4, v3;
	_ =	sdelay $0x1  }
0x1b7: {  	[tilespmem:v6+s13+$0x0] =	vst.idx.msk $0xffff, v4  }
0x1b8: {  	v6 =	vld.idx.msk [tilespmem:v5+s13+$0x0], $0xffff;
	_ =	sdelay $0x1  }
0x1b9: {  	s21 =	simm.s32 $0x8  }
0x1ba: {  	v4 =	vor.u32 s21, v2;
	_ =	sdelay $0x1  }
0x1bb: {  	s22 =	simm.s32 $0x10;
	v6 =	vmul.f32 v6, v3  }
.LBB2_9:
0x1bc: {  	_ = 	snop  }
0x1bd: {  	p0 =	slt.u32 s22, $0x38;
	s23 =	smov.u32 s22;
	s22 =	sadd.s32 $0x8, s22;
	[tilespmem:v5+s13+$0x0] =	vst.idx.msk $0xffff, v6  }
0x1be: {  	v5 =	vld.idx.msk [tilespmem:v4+s13+$0x0], $0xffff;
	_ =	sdelay $0x2  }
0x1bf: {  	s0 =	sadd.s32 $0x1, s21  }
0x1c0: {  	v6 =	vor.u32 s0, v2;
	_ =	sdelay $0x1  }
0x1c1: {  	v5 =	vmul.f32 v5, v3;
	_ =	sdelay $0x1  }
0x1c2: {  	[tilespmem:v4+s13+$0x0] =	vst.idx.msk $0xffff, v5  }
0x1c3: {  	v4 =	vld.idx.msk [tilespmem:v6+s13+$0x0], $0xffff;
	_ =	sdelay $0x2  }
0x1c4: {  	s0 =	sadd.s32 $0x2, s21  }
0x1c5: {  	v5 =	vor.u32 s0, v2;
	_ =	sdelay $0x1  }
0x1c6: {  	v4 =	vmul.f32 v4, v3;
	_ =	sdelay $0x1  }
0x1c7: {  	[tilespmem:v6+s13+$0x0] =	vst.idx.msk $0xffff, v4  }
0x1c8: {  	v4 =	vld.idx.msk [tilespmem:v5+s13+$0x0], $0xffff;
	_ =	sdelay $0x2  }
0x1c9: {  	s0 =	sadd.s32 $0x3, s21  }
0x1ca: {  	v6 =	vor.u32 s0, v2;
	_ =	sdelay $0x1  }
0x1cb: {  	v4 =	vmul.f32 v4, v3;
	_ =	sdelay $0x1  }
0x1cc: {  	[tilespmem:v5+s13+$0x0] =	vst.idx.msk $0xffff, v4  }
0x1cd: {  	v4 =	vld.idx.msk [tilespmem:v6+s13+$0x0], $0xffff;
	_ =	sdelay $0x2  }
0x1ce: {  	s0 =	sadd.s32 $0x4, s21  }
0x1cf: {  	v5 =	vor.u32 s0, v2;
	_ =	sdelay $0x1  }
0x1d0: {  	v4 =	vmul.f32 v4, v3;
	_ =	sdelay $0x1  }
0x1d1: {  	[tilespmem:v6+s13+$0x0] =	vst.idx.msk $0xffff, v4  }
0x1d2: {  	v4 =	vld.idx.msk [tilespmem:v5+s13+$0x0], $0xffff;
	_ =	sdelay $0x2  }
0x1d3: {  	s0 =	sadd.s32 $0x5, s21  }
0x1d4: {  	v6 =	vor.u32 s0, v2;
	_ =	sdelay $0x1  }
0x1d5: {  	v4 =	vmul.f32 v4, v3;
	_ =	sdelay $0x1  }
0x1d6: {  	[tilespmem:v5+s13+$0x0] =	vst.idx.msk $0xffff, v4  }
0x1d7: {  	v4 =	vld.idx.msk [tilespmem:v6+s13+$0x0], $0xffff;
	_ =	sdelay $0x2  }
0x1d8: {  	s0 =	sadd.s32 $0x6, s21  }
0x1d9: {  	v7 =	vor.u32 s0, v2;
	_ =	sdelay $0x1  }
0x1da: {  	v4 =	vmul.f32 v4, v3;
	_ =	sdelay $0x1  }
0x1db: {  	[tilespmem:v6+s13+$0x0] =	vst.idx.msk $0xffff, v4  }
0x1dc: {  	v4 =	vld.idx.msk [tilespmem:v7+s13+$0x0], $0xffff;
	_ =	sdelay $0x2  }
0x1dd: {  	s0 =	sadd.s32 $0x7, s21;
	s21 =	smov.u32 s23  }
0x1de: {  	v5 =	vor.u32 s0, v2;
	_ =	sdelay $0x1  }
0x1df: {  	v4 =	vmul.f32 v4, v3;
	_ =	sdelay $0x1  }
0x1e0: {  	[tilespmem:v7+s13+$0x0] =	vst.idx.msk $0xffff, v4  }
0x1e1: {  	v6 =	vld.idx.msk [tilespmem:v5+s13+$0x0], $0xffff;
	_ =	sdelay $0x1  }
.Ltmp3:
0x1e2: {  	(pc) =	sbr.rel @p0 .LBB2_9-.Ltmp3, $3  }
0x1e3: {  	_ = 	snop  }
0x1e4: {  	v4 =	vor.u32 s21, v2;
	_ =	sdelay $0x1  }
0x1e5: {  	v6 =	vmul.f32 v6, v3  }
0x1e6: {  	_ =	sdelay $0x3  }
0x1e7: {  	[tilespmem:v5+s13+$0x0] =	vst.idx.msk $0xffff, v6  }
0x1e8: {  	v5 =	vld.idx.msk [tilespmem:v4+s13+$0x0], $0xffff;
	_ =	sdelay $0x1  }
0x1e9: {  	s0 =	sadd.s32 $0x1, s21  }
0x1ea: {  	v58 =	vor.u32 s0, v2;
	_ =	sdelay $0x1  }
0x1eb: {  	v5 =	vmul.f32 v5, v3;
	_ =	sdelay $0x1  }
0x1ec: {  	[tilespmem:v4+s13+$0x0] =	vst.idx.msk $0xffff, v5  }
0x1ed: {  	v4 =	vld.idx.msk [tilespmem:v58+s13+$0x0], $0xffff;
	_ =	sdelay $0x1  }
0x1ee: {  	s25 =	sadd.s32 $0x2, s21  }
0x1ef: {  	v59 =	vor.u32 s25, v2;
	_ =	sdelay $0x1  }
0x1f0: {  	v4 =	vmul.f32 v4, v3;
	_ =	sdelay $0x1  }
0x1f1: {  	[tilespmem:v58+s13+$0x0] =	vst.idx.msk $0xffff, v4  }
0x1f2: {  	v4 =	vld.idx.msk [tilespmem:v59+s13+$0x0], $0xffff;
	_ =	sdelay $0x1  }
0x1f3: {  	s26 =	sadd.s32 $0x3, s21  }
0x1f4: {  	v60 =	vor.u32 s26, v2;
	_ =	sdelay $0x1  }
0x1f5: {  	v4 =	vmul.f32 v4, v3;
	_ =	sdelay $0x1  }
0x1f6: {  	[tilespmem:v59+s13+$0x0] =	vst.idx.msk $0xffff, v4  }
0x1f7: {  	v4 =	vld.idx.msk [tilespmem:v60+s13+$0x0], $0xffff;
	_ =	sdelay $0x1  }
0x1f8: {  	s28 =	sadd.s32 $0x4, s21  }
0x1f9: {  	v61 =	vor.u32 s28, v2;
	_ =	sdelay $0x1  }
0x1fa: {  	v4 =	vmul.f32 v4, v3;
	_ =	sdelay $0x1  }
0x1fb: {  	[tilespmem:v60+s13+$0x0] =	vst.idx.msk $0xffff, v4  }
0x1fc: {  	v4 =	vld.idx.msk [tilespmem:v61+s13+$0x0], $0xffff;
	_ =	sdelay $0x1  }
0x1fd: {  	s29 =	sadd.s32 $0x5, s21  }
0x1fe: {  	v62 =	vor.u32 s29, v2;
	_ =	sdelay $0x1  }
0x1ff: {  	v4 =	vmul.f32 v4, v3;
	_ =	sdelay $0x1  }
0x200: {  	[tilespmem:v61+s13+$0x0] =	vst.idx.msk $0xffff, v4  }
0x201: {  	v4 =	vld.idx.msk [tilespmem:v62+s13+$0x0], $0xffff;
	_ =	sdelay $0x1  }
0x202: {  	s30 =	sadd.s32 $0x6, s21  }
0x203: {  	v63 =	vor.u32 s30, v2;
	_ =	sdelay $0x1  }
0x204: {  	v4 =	vmul.f32 v4, v3;
	_ =	sdelay $0x1  }
0x205: {  	[tilespmem:v62+s13+$0x0] =	vst.idx.msk $0xffff, v4  }
0x206: {  	v4 =	vld.idx.msk [tilespmem:v63+s13+$0x0], $0xffff;
	_ =	sdelay $0x1  }
0x207: {  	s31 =	sadd.s32 $0x7, s21  }
0x208: {  	v2 =	vor.u32 s31, v2;
	_ =	sdelay $0x1  }
0x209: {  	v4 =	vmul.f32 v4, v3;
	_ =	sdelay $0x1  }
0x20a: {  	[tilespmem:v63+s13+$0x0] =	vst.idx.msk $0xffff, v4  }
0x20b: {  	v4 =	vld.idx.msk [tilespmem:v2+s13+$0x0], $0xffff  }
0x20c: {  	s20 =	sadd.s32 $0x1, s20  }
0x20d: {  	p0 =	sne.s32 s20, $0x20  }
.Ltmp4:
0x20e: {  	_ = 	snop;
	(pc) =	sbr.rel @p0 .LBB2_6-.Ltmp4, $3  }
0x20f: {  	_ = 	snop  }
0x210: {  	v3 =	vmul.f32 v4, v3;
	_ =	sdelay $0x1  }
0x211: {  	[tilespmem:v2+s13+$0x0] =	vst.idx.msk $0xffff, v3  }
0x212: {  	s19 =	simm.s32 $0x0  }
0x213: {  	[hbm4b:s6+s19] =	stream.linear.scatter [tilespmem:s13], [sflag:$0x3], $0x8000, $0x38;
	[tilespmem:$0x10400] =	vst v63  }
0x214: {  	_ =	swait.ge [sflag:s15], $0x8000  }
0x215: {  	[sflag:s15] =	ssyncset.done $0x0  }
0x216: {  	s20 =	simm.s32 $0x0;
	[sflag:s15] =	ssyncadd.s32 $0xFFFF8000  }
.LBB2_12:
0x217: {  	s0 =	sshll.u32 s20, $0x4  }
0x218: {  	v2 =	vmov s0  }
0x219: {  	v2 =	vshll.u32 v2, $0x6  }
0x21a: {  	v2 =	vor.u32 v0, v2  }
0x21b: {  	v2 =	vand.u32 $0x7FFFFF80, v2  }
0x21c: {  	v2 =	vor.u32 v1, v2  }
0x21d: {  	v3 =	vor.u32 s19, v2;
	_ =	sdelay $0x1  }
0x21e: {  	s25 =	simm.s32 $0x1  }
0x21f: {  	v4 =	vor.u32 s25, v2  }
0x220: {  	s26 =	simm.s32 $0x2  }
0x221: {  	v5 =	vor.u32 s26, v2;
	v3 =	vld.idx.msk [tilespmem:v3+s16+$0x0], $0xffff  }
0x222: {  	s28 =	simm.s32 $0x3  }
0x223: {  	v6 =	vor.u32 s28, v2  }
0x224: {  	s29 =	simm.s32 $0x4;
	v4 =	vld.idx.msk [tilespmem:v4+s16+$0x0], $0xffff  }
0x225: {  	v8 =	vor.u32 s29, v2  }
0x226: {  	s30 =	simm.s32 $0x5;
	v10 =	vld.idx.msk [tilespmem:v5+s16+$0x0], $0xffff;
	v5 =	vmul.f32 v3, v3  }
0x227: {  	v7 =	vimm.f32 $0.0e+00;
	s31 =	simm.s32 $0x6;
	v11 =	vor.u32 s30, v2  }
0x228: {  	v3 =	vld.idx.msk [tilespmem:v6+s16+$0x0], $0xffff;
	v9 =	vadd.f32 v5, v7;
	v7 =	vor.u32 s31, v2  }
0x229: {  	s1 =	simm.s32 $0x7;
	v4 =	vmul.f32 v4, v4  }
0x22a: {  	v6 =	vor.u32 s1, v2;
	v5 =	vld.idx.msk [tilespmem:v8+s16+$0x0], $0xffff  }
0x22b: {  	s21 =	simm.s32 $0x8;
	v10 =	vmul.f32 v10, v10;
	v9 =	vadd.f32 v4, v9  }
0x22c: {  	s22 =	simm.s32 $0x10;
	v8 =	vor.u32 s21, v2;
	v4 =	vld.idx.msk [tilespmem:v11+s16+$0x0], $0xffff  }
.LBB2_13:
0x22d: {  	p0 =	slt.u32 s22, $0x38;
	s0 =	sadd.s32 $0x1, s21;
	v9 =	vadd.f32 v10, v9;
	v3 =	vmul.f32 v3, v3;
	v7 =	vld.idx.msk [tilespmem:v7+s16+$0x0], $0xffff  }
0x22e: {  	v10 =	vor.u32 s0, v2  }
0x22f: {  	s0 =	sadd.s32 $0x2, s21;
	v5 =	vmul.f32 v5, v5;
	v3 =	vadd.f32 v3, v9;
	v6 =	vld.idx.msk [tilespmem:v6+s16+$0x0], $0xffff  }
0x230: {  	v9 =	vor.u32 s0, v2  }
0x231: {  	s0 =	sadd.s32 $0x3, s21;
	v4 =	vmul.f32 v4, v4;
	v8 =	vld.idx.msk [tilespmem:v8+s16+$0x0], $0xffff;
	v3 =	vadd.f32 v5, v3  }
0x232: {  	v5 =	vor.u32 s0, v2  }
0x233: {  	s0 =	sadd.s32 $0x4, s21;
	v10 =	vld.idx.msk [tilespmem:v10+s16+$0x0], $0xffff;
	v3 =	vadd.f32 v4, v3;
	v4 =	vmul.f32 v7, v7  }
0x234: {  	v11 =	vor.u32 s0, v2  }
0x235: {  	s0 =	sadd.s32 $0x5, s21;
	v6 =	vmul.f32 v6, v6;
	v12 =	vld.idx.msk [tilespmem:v9+s16+$0x0], $0xffff;
	v4 =	vadd.f32 v4, v3  }
0x236: {  	v13 =	vor.u32 s0, v2  }
0x237: {  	s0 =	sadd.s32 $0x6, s21;
	v8 =	vmul.f32 v8, v8;
	v3 =	vld.idx.msk [tilespmem:v5+s16+$0x0], $0xffff;
	v4 =	vadd.f32 v6, v4  }
.Ltmp5:
0x238: {  	v7 =	vor.u32 s0, v2;
	(pc) =	sbr.rel @p0 .LBB2_13-.Ltmp5, $4  }
0x239: {  	s0 =	sadd.s32 $0x7, s21;
	s21 =	smov.u32 s22;
	v4 =	vadd.f32 v8, v4;
	v8 =	vmul.f32 v10, v10;
	v5 =	vld.idx.msk [tilespmem:v11+s16+$0x0], $0xffff  }
0x23a: {  	v6 =	vor.u32 s0, v2  }
0x23b: {  	v10 =	vmul.f32 v12, v12;
	v9 =	vadd.f32 v8, v4;
	v4 =	vld.idx.msk [tilespmem:v13+s16+$0x0], $0xffff  }
0x23c: {  	s22 =	sadd.s32 $0x8, s22;
	v8 =	vor.u32 s21, v2  }
0x23d: {  	_ =	sdelay $0x2  }
0x23e: {  	v9 =	vadd.f32 v10, v9;
	v3 =	vmul.f32 v3, v3  }
0x23f: {  	s0 =	sadd.s32 $0x1, s21;
	v7 =	vld.idx.msk [tilespmem:v7+s16+$0x0], $0xffff  }
0x240: {  	v59 =	vor.u32 s0, v2;
	v5 =	vmul.f32 v5, v5;
	v3 =	vadd.f32 v3, v9  }
0x241: {  	s28 =	sadd.s32 $0x2, s21;
	v6 =	vld.idx.msk [tilespmem:v6+s16+$0x0], $0xffff  }
0x242: {  	v60 =	vor.u32 s28, v2;
	v4 =	vmul.f32 v4, v4;
	v3 =	vadd.f32 v5, v3  }
0x243: {  	s29 =	sadd.s32 $0x3, s21;
	v5 =	vld.idx.msk [tilespmem:v8+s16+$0x0], $0xffff  }
0x244: {  	v8 =	vor.u32 s29, v2;
	v3 =	vadd.f32 v4, v3;
	v4 =	vmul.f32 v7, v7  }
0x245: {  	s30 =	sadd.s32 $0x4, s21;
	v7 =	vld.idx.msk [tilespmem:v59+s16+$0x0], $0xffff  }
0x246: {  	v61 =	vor.u32 s30, v2;
	v3 =	vadd.f32 v4, v3;
	v4 =	vmul.f32 v6, v6  }
0x247: {  	s31 =	sadd.s32 $0x5, s21;
	v6 =	vld.idx.msk [tilespmem:v60+s16+$0x0], $0xffff  }
0x248: {  	v62 =	vor.u32 s31, v2;
	v5 =	vmul.f32 v5, v5;
	v3 =	vadd.f32 v4, v3  }
0x249: {  	s1 =	sadd.s32 $0x6, s21;
	v4 =	vld.idx.msk [tilespmem:v8+s16+$0x0], $0xffff  }
0x24a: {  	v8 =	vor.u32 s1, v2;
	v3 =	vadd.f32 v5, v3;
	v5 =	vmul.f32 v7, v7  }
0x24b: {  	s22 =	sadd.s32 $0x7, s21;
	v7 =	vld.idx.msk [tilespmem:v61+s16+$0x0], $0xffff  }
0x24c: {  	v63 =	vor.u32 s22, v2;
	v3 =	vadd.f32 v5, v3;
	v5 =	vmul.f32 v6, v6  }
0x24d: {  	v6 =	vld.idx.msk [tilespmem:v62+s16+$0x0], $0xffff  }
0x24e: {  	v4 =	vmul.f32 v4, v4;
	v3 =	vadd.f32 v5, v3  }
0x24f: {  	v5 =	vld.idx.msk [tilespmem:v8+s16+$0x0], $0xffff  }
0x250: {  	v3 =	vadd.f32 v4, v3;
	v4 =	vmul.f32 v7, v7  }
0x251: {  	v7 =	vld.idx.msk [tilespmem:v63+s16+$0x0], $0xffff  }
0x252: {  	v3 =	vadd.f32 v4, v3;
	v4 =	vmul.f32 v6, v6;
	_ =	sdelay $0x1  }
0x253: {  	v3 =	vadd.f32 v4, v3;
	v4 =	vmul.f32 v5, v5;
	_ =	sdelay $0x1  }
0x254: {  	v3 =	vadd.f32 v4, v3;
	v4 =	vmul.f32 v7, v7;
	_ =	sdelay $0x1  }
0x255: {  	v3 =	vadd.f32 v4, v3;
	_ =	sdelay $0x1  }
0x256: {  	v4 =	vshrl.u32 v3, $0x1;
	v3 =	vmul.f32 $5.000000000e-01, v3  }
0x257: {  	v4 =	vsub.s32 $0x5F3759DF, v4  }
0x258: {  	v5 =	vmul.f32 v4, v3;
	_ =	sdelay $0x1  }
0x259: {  	v5 =	vmul.f32 v4, v5;
	_ =	sdelay $0x1  }
0x25a: {  	v5 =	vsub.f32 $1.500000000e+00, v5;
	_ =	sdelay $0x1  }
0x25b: {  	v4 =	vmul.f32 v4, v5;
	_ =	sdelay $0x1  }
0x25c: {  	v5 =	vmul.f32 v4, v3;
	_ =	sdelay $0x1  }
0x25d: {  	v5 =	vmul.f32 v5, v4;
	_ =	sdelay $0x1  }
0x25e: {  	v5 =	vsub.f32 $1.500000000e+00, v5  }
0x25f: {  	s23 =	simm.s32 $0x0  }
0x260: {  	v4 =	vmul.f32 v5, v4;
	v5 =	vor.u32 s23, v2;
	_ =	sdelay $0x1  }
0x261: {  	v3 =	vmul.f32 v4, v3;
	_ =	sdelay $0x1  }
0x262: {  	v3 =	vmul.f32 v3, v4  }
0x263: {  	v6 =	vld.idx.msk [tilespmem:v5+s16+$0x0], $0xffff  }
0x264: {  	v3 =	vsub.f32 $1.500000000e+00, v3  }
0x265: {  	s24 =	simm.s32 $0x1  }
0x266: {  	v3 =	vmul.f32 v3, v4;
	v4 =	vor.u32 s24, v2;
	_ =	sdelay $0x1  }
0x267: {  	v6 =	vmul.f32 v6, v3;
	_ =	sdelay $0x1  }
0x268: {  	[tilespmem:v5+s16+$0x0] =	vst.idx.msk $0xffff, v6  }
0x269: {  	v5 =	vld.idx.msk [tilespmem:v4+s16+$0x0], $0xffff;
	_ =	sdelay $0x1  }
0x26a: {  	s25 =	simm.s32 $0x2  }
0x26b: {  	v6 =	vor.u32 s25, v2;
	_ =	sdelay $0x1  }
0x26c: {  	v5 =	vmul.f32 v5, v3;
	_ =	sdelay $0x1  }
0x26d: {  	[tilespmem:v4+s16+$0x0] =	vst.idx.msk $0xffff, v5  }
0x26e: {  	v4 =	vld.idx.msk [tilespmem:v6+s16+$0x0], $0xffff;
	_ =	sdelay $0x1  }
0x26f: {  	s26 =	simm.s32 $0x3  }
0x270: {  	v5 =	vor.u32 s26, v2;
	_ =	sdelay $0x1  }
0x271: {  	v4 =	vmul.f32 v4, v3;
	_ =	sdelay $0x1  }
0x272: {  	[tilespmem:v6+s16+$0x0] =	vst.idx.msk $0xffff, v4  }
0x273: {  	v4 =	vld.idx.msk [tilespmem:v5+s16+$0x0], $0xffff;
	_ =	sdelay $0x1  }
0x274: {  	s28 =	simm.s32 $0x4  }
0x275: {  	v6 =	vor.u32 s28, v2;
	_ =	sdelay $0x1  }
0x276: {  	v4 =	vmul.f32 v4, v3;
	_ =	sdelay $0x1  }
0x277: {  	[tilespmem:v5+s16+$0x0] =	vst.idx.msk $0xffff, v4  }
0x278: {  	v4 =	vld.idx.msk [tilespmem:v6+s16+$0x0], $0xffff;
	_ =	sdelay $0x1  }
0x279: {  	s29 =	simm.s32 $0x5  }
0x27a: {  	v5 =	vor.u32 s29, v2;
	_ =	sdelay $0x1  }
0x27b: {  	v4 =	vmul.f32 v4, v3;
	_ =	sdelay $0x1  }
0x27c: {  	[tilespmem:v6+s16+$0x0] =	vst.idx.msk $0xffff, v4  }
0x27d: {  	v4 =	vld.idx.msk [tilespmem:v5+s16+$0x0], $0xffff;
	_ =	sdelay $0x1  }
0x27e: {  	s30 =	simm.s32 $0x6  }
0x27f: {  	v6 =	vor.u32 s30, v2;
	_ =	sdelay $0x1  }
0x280: {  	v4 =	vmul.f32 v4, v3;
	_ =	sdelay $0x1  }
0x281: {  	[tilespmem:v5+s16+$0x0] =	vst.idx.msk $0xffff, v4  }
0x282: {  	v4 =	vld.idx.msk [tilespmem:v6+s16+$0x0], $0xffff;
	_ =	sdelay $0x1  }
0x283: {  	s31 =	simm.s32 $0x7  }
0x284: {  	v5 =	vor.u32 s31, v2;
	_ =	sdelay $0x1  }
0x285: {  	v4 =	vmul.f32 v4, v3;
	_ =	sdelay $0x1  }
0x286: {  	[tilespmem:v6+s16+$0x0] =	vst.idx.msk $0xffff, v4  }
0x287: {  	v6 =	vld.idx.msk [tilespmem:v5+s16+$0x0], $0xffff;
	_ =	sdelay $0x1  }
0x288: {  	s21 =	simm.s32 $0x8  }
0x289: {  	v4 =	vor.u32 s21, v2;
	_ =	sdelay $0x1  }
0x28a: {  	s22 =	simm.s32 $0x10;
	v6 =	vmul.f32 v6, v3  }
.LBB2_15:
0x28b: {  	_ = 	snop  }
0x28c: {  	p0 =	slt.u32 s22, $0x38;
	s23 =	smov.u32 s22;
	s22 =	sadd.s32 $0x8, s22;
	[tilespmem:v5+s16+$0x0] =	vst.idx.msk $0xffff, v6  }
0x28d: {  	v5 =	vld.idx.msk [tilespmem:v4+s16+$0x0], $0xffff;
	_ =	sdelay $0x2  }
0x28e: {  	s0 =	sadd.s32 $0x1, s21  }
0x28f: {  	v6 =	vor.u32 s0, v2;
	_ =	sdelay $0x1  }
0x290: {  	v5 =	vmul.f32 v5, v3;
	_ =	sdelay $0x1  }
0x291: {  	[tilespmem:v4+s16+$0x0] =	vst.idx.msk $0xffff, v5  }
0x292: {  	v4 =	vld.idx.msk [tilespmem:v6+s16+$0x0], $0xffff;
	_ =	sdelay $0x2  }
0x293: {  	s0 =	sadd.s32 $0x2, s21  }
0x294: {  	v5 =	vor.u32 s0, v2;
	_ =	sdelay $0x1  }
0x295: {  	v4 =	vmul.f32 v4, v3;
	_ =	sdelay $0x1  }
0x296: {  	[tilespmem:v6+s16+$0x0] =	vst.idx.msk $0xffff, v4  }
0x297: {  	v4 =	vld.idx.msk [tilespmem:v5+s16+$0x0], $0xffff;
	_ =	sdelay $0x2  }
0x298: {  	s0 =	sadd.s32 $0x3, s21  }
0x299: {  	v6 =	vor.u32 s0, v2;
	_ =	sdelay $0x1  }
0x29a: {  	v4 =	vmul.f32 v4, v3;
	_ =	sdelay $0x1  }
0x29b: {  	[tilespmem:v5+s16+$0x0] =	vst.idx.msk $0xffff, v4  }
0x29c: {  	v4 =	vld.idx.msk [tilespmem:v6+s16+$0x0], $0xffff;
	_ =	sdelay $0x2  }
0x29d: {  	s0 =	sadd.s32 $0x4, s21  }
0x29e: {  	v5 =	vor.u32 s0, v2;
	_ =	sdelay $0x1  }
0x29f: {  	v4 =	vmul.f32 v4, v3;
	_ =	sdelay $0x1  }
0x2a0: {  	[tilespmem:v6+s16+$0x0] =	vst.idx.msk $0xffff, v4  }
0x2a1: {  	v4 =	vld.idx.msk [tilespmem:v5+s16+$0x0], $0xffff;
	_ =	sdelay $0x2  }
0x2a2: {  	s0 =	sadd.s32 $0x5, s21  }
0x2a3: {  	v6 =	vor.u32 s0, v2;
	_ =	sdelay $0x1  }
0x2a4: {  	v4 =	vmul.f32 v4, v3;
	_ =	sdelay $0x1  }
0x2a5: {  	[tilespmem:v5+s16+$0x0] =	vst.idx.msk $0xffff, v4  }
0x2a6: {  	v4 =	vld.idx.msk [tilespmem:v6+s16+$0x0], $0xffff;
	_ =	sdelay $0x2  }
0x2a7: {  	s0 =	sadd.s32 $0x6, s21  }
0x2a8: {  	v7 =	vor.u32 s0, v2;
	_ =	sdelay $0x1  }
0x2a9: {  	v4 =	vmul.f32 v4, v3;
	_ =	sdelay $0x1  }
0x2aa: {  	[tilespmem:v6+s16+$0x0] =	vst.idx.msk $0xffff, v4  }
0x2ab: {  	v4 =	vld.idx.msk [tilespmem:v7+s16+$0x0], $0xffff;
	_ =	sdelay $0x2  }
0x2ac: {  	s0 =	sadd.s32 $0x7, s21;
	s21 =	smov.u32 s23  }
0x2ad: {  	v5 =	vor.u32 s0, v2;
	_ =	sdelay $0x1  }
0x2ae: {  	v4 =	vmul.f32 v4, v3;
	_ =	sdelay $0x1  }
0x2af: {  	[tilespmem:v7+s16+$0x0] =	vst.idx.msk $0xffff, v4  }
0x2b0: {  	v6 =	vld.idx.msk [tilespmem:v5+s16+$0x0], $0xffff;
	_ =	sdelay $0x1  }
.Ltmp6:
0x2b1: {  	(pc) =	sbr.rel @p0 .LBB2_15-.Ltmp6, $3  }
0x2b2: {  	_ = 	snop  }
0x2b3: {  	v4 =	vor.u32 s21, v2;
	_ =	sdelay $0x1  }
0x2b4: {  	v6 =	vmul.f32 v6, v3  }
0x2b5: {  	_ =	sdelay $0x3  }
0x2b6: {  	[tilespmem:v5+s16+$0x0] =	vst.idx.msk $0xffff, v6  }
0x2b7: {  	v5 =	vld.idx.msk [tilespmem:v4+s16+$0x0], $0xffff;
	_ =	sdelay $0x1  }
0x2b8: {  	s0 =	sadd.s32 $0x1, s21  }
0x2b9: {  	v58 =	vor.u32 s0, v2;
	_ =	sdelay $0x1  }
0x2ba: {  	v5 =	vmul.f32 v5, v3;
	_ =	sdelay $0x1  }
0x2bb: {  	[tilespmem:v4+s16+$0x0] =	vst.idx.msk $0xffff, v5  }
0x2bc: {  	v4 =	vld.idx.msk [tilespmem:v58+s16+$0x0], $0xffff;
	_ =	sdelay $0x1  }
0x2bd: {  	s25 =	sadd.s32 $0x2, s21  }
0x2be: {  	v59 =	vor.u32 s25, v2;
	_ =	sdelay $0x1  }
0x2bf: {  	v4 =	vmul.f32 v4, v3;
	_ =	sdelay $0x1  }
0x2c0: {  	[tilespmem:v58+s16+$0x0] =	vst.idx.msk $0xffff, v4  }
0x2c1: {  	v4 =	vld.idx.msk [tilespmem:v59+s16+$0x0], $0xffff;
	_ =	sdelay $0x1  }
0x2c2: {  	s26 =	sadd.s32 $0x3, s21  }
0x2c3: {  	v60 =	vor.u32 s26, v2;
	_ =	sdelay $0x1  }
0x2c4: {  	v4 =	vmul.f32 v4, v3;
	_ =	sdelay $0x1  }
0x2c5: {  	[tilespmem:v59+s16+$0x0] =	vst.idx.msk $0xffff, v4  }
0x2c6: {  	v4 =	vld.idx.msk [tilespmem:v60+s16+$0x0], $0xffff;
	_ =	sdelay $0x1  }
0x2c7: {  	s28 =	sadd.s32 $0x4, s21  }
0x2c8: {  	v61 =	vor.u32 s28, v2;
	_ =	sdelay $0x1  }
0x2c9: {  	v4 =	vmul.f32 v4, v3;
	_ =	sdelay $0x1  }
0x2ca: {  	[tilespmem:v60+s16+$0x0] =	vst.idx.msk $0xffff, v4  }
0x2cb: {  	v4 =	vld.idx.msk [tilespmem:v61+s16+$0x0], $0xffff;
	_ =	sdelay $0x1  }
0x2cc: {  	s29 =	sadd.s32 $0x5, s21  }
0x2cd: {  	v62 =	vor.u32 s29, v2;
	_ =	sdelay $0x1  }
0x2ce: {  	v4 =	vmul.f32 v4, v3;
	_ =	sdelay $0x1  }
0x2cf: {  	[tilespmem:v61+s16+$0x0] =	vst.idx.msk $0xffff, v4  }
0x2d0: {  	v4 =	vld.idx.msk [tilespmem:v62+s16+$0x0], $0xffff;
	_ =	sdelay $0x1  }
0x2d1: {  	s30 =	sadd.s32 $0x6, s21  }
0x2d2: {  	v63 =	vor.u32 s30, v2;
	_ =	sdelay $0x1  }
0x2d3: {  	v4 =	vmul.f32 v4, v3;
	_ =	sdelay $0x1  }
0x2d4: {  	[tilespmem:v62+s16+$0x0] =	vst.idx.msk $0xffff, v4  }
0x2d5: {  	v4 =	vld.idx.msk [tilespmem:v63+s16+$0x0], $0xffff;
	_ =	sdelay $0x1  }
0x2d6: {  	s31 =	sadd.s32 $0x7, s21  }
0x2d7: {  	v2 =	vor.u32 s31, v2;
	_ =	sdelay $0x1  }
0x2d8: {  	v4 =	vmul.f32 v4, v3;
	_ =	sdelay $0x1  }
0x2d9: {  	[tilespmem:v63+s16+$0x0] =	vst.idx.msk $0xffff, v4  }
0x2da: {  	v4 =	vld.idx.msk [tilespmem:v2+s16+$0x0], $0xffff  }
0x2db: {  	s20 =	sadd.s32 $0x1, s20  }
0x2dc: {  	p0 =	sne.s32 s20, $0x20  }
.Ltmp7:
0x2dd: {  	_ = 	snop;
	(pc) =	sbr.rel @p0 .LBB2_12-.Ltmp7, $3  }
0x2de: {  	_ = 	snop  }
0x2df: {  	v3 =	vmul.f32 v4, v3;
	_ =	sdelay $0x1  }
0x2e0: {  	[tilespmem:v2+s16+$0x0] =	vst.idx.msk $0xffff, v3  }
0x2e1: {  	[hbm4b:s8+s2] =	stream.linear.scatter [tilespmem:s16], [sflag:$0x3], $0x8000, $0x38;
	[tilespmem:$0x10400] =	vst v63  }
0x2e2: {  	s18 =	sadd.s32 $0x1, s18  }
0x2e3: {  	_ =	swait.ge [sflag:s17], $0x8000;
	p0 =	sne.s32 s18, s9  }
.Ltmp8:
0x2e4: {  	[sflag:s17] =	ssyncset.done $0x0;
	(pc) =	sbr.rel @p0 .LBB2_1-.Ltmp8, $4  }
0x2e5: {  	[sflag:s17] =	ssyncadd.s32 $0xFFFF8000  }
0x2e6: {  	_ =	swait.ge [sflag:s17], $0x8000  }
0x2e7: {  	[sflag:s17] =	ssyncset.done $0x0  }
0x2e8: {  	[sflag:s17] =	ssyncadd.s32 $0xFFFF8000  }
0x2e9: {  	_ =	sfence.sel $0x180000  }
0x2ea: {  	[bflag:$0x0] =	sbarrier.arrive $0xFFFF  }
0x2eb: {  	_ =	strace $0x90000047  }
0x2ec: {  	s0 =	stileid.u32;
	[bflag:$0x2] =	sbarrier.arrive $0xFFFF  }
0x2ed: {  	p0 =	sne.s32 s0, $0x0;
	s0 =	rddreg [dreg:$0x4]  }
0x2ee: {  	s0 =	sadd.s32 @!p0 $0x100000, s0  }
0x2ef: {  	[sflag:s0] =	ssyncadd.tile.s32 @!p0 $0x1;
	_ =	shalt  }
.Lfunc_end2:
_tile_overlayer_lowered:
.L_overlay_start_2:
0x2f0: {  	(tag) =	ssettag $0x2  }
0x2f1: {  	s0 =	rddreg [dreg:$0x0];
	s2 =	stileid.u32  }
0x2f2: {  	s1 =	rddreg [dreg:$0x1];
	p0 =	sne.s32 s2, $0x0  }
0x2f3: {  	s3 =	rddreg [dreg:$0x2];
	[bflag:$0x3] =	sbarrier.arrive $0xFFFF;
	s2 =	simm.s32 @!p0 $0x1C04  }
0x2f4: {  	[timem:s3], [sflag:s2] =	dma.local @!p0 [hbm:s0], s1  }
0x2f5: {  	s0 =	simm.s32 @!p0 $0x4  }
0x2f6: {  	_ =	swait.ge @!p0 [sflag:s0], s1  }
0x2f7: {  	s1 =	ssub.s32 @!p0 $0x0, s1;
	[sflag:s0] =	ssyncset.done @!p0 $0x0  }
0x2f8: {  	[sflag:s0] =	ssyncadd.s32 @!p0 s1  }
0x2f9: {  	[bflag:$0x3] =	sbarrier.arrive $0xFFFF  }
0x2fa: {  	_ =	shalt  }

</sc_bundles>
